<compile_context>
chip_gen: v7x
topology: tpu7x:2x2x1
jax: 0.10.2.dev20260603
libtpu: 0.0.44.dev20260713+nightly
codegen_flags: <defaults>
</compile_context>

<pallas_src>
import functools

import jax
import jax.numpy as jnp
from jax import lax
from jax.experimental import pallas as pl
from jax.experimental.pallas import tpu as pltpu
from jax.experimental.pallas import tpu_sc as plsc

B_, S_, D_, H_, E_ = 2, 2048, 1024, 2048, 8
T_ = B_ * S_
C_ = 640
NSLOT = E_ * C_
NC, NS = 2, 16
NW = NC * NS
TPW = T_ // NW
RBUF = NSLOT + NW

TB = 512
HT = 1024
HTW = 512
D2 = D_ // 2



def _w2sum_body(w2a_ref, w2b_ref, out_ref):
    out_ref[0] = (jnp.sum(w2a_ref[0], axis=1, keepdims=True)
                  + jnp.sum(w2b_ref[0], axis=1, keepdims=True))


def _w2sum(w2):
    return pl.pallas_call(
        _w2sum_body,
        grid=(E_, H_ // HTW),
        in_specs=[pl.BlockSpec((1, HTW, D2), lambda e, h: (e, h, 0)),
                  pl.BlockSpec((1, HTW, D2), lambda e, h: (e, h, 1))],
        out_specs=pl.BlockSpec((1, HTW, 1), lambda e, h: (e, h, 0)),
        out_shape=jax.ShapeDtypeStruct((E_, H_, 1), jnp.float32),
    )(w2, w2)



def _gate_body(x_ref, wg_ref, slot_ref, gmul_ref, carry_ref, tri_ref):
    i = pl.program_id(0)
    x = x_ref[...]
    logits = jnp.dot(x, wg_ref[...], preferred_element_type=jnp.float32)
    lmax = jnp.max(logits, axis=1, keepdims=True)
    gval = 1.0 / jnp.sum(jnp.exp(logits - lmax), axis=1, keepdims=True)
    eids = lax.broadcasted_iota(jnp.int32, logits.shape, 1)
    eidx = jnp.min(jnp.where(logits >= lmax, eids, E_), axis=1, keepdims=True)

    @pl.when(i == 0)
    def _():
        carry_ref[...] = jnp.zeros_like(carry_ref)
        r = lax.broadcasted_iota(jnp.int32, (TB, TB), 0)
        c = lax.broadcasted_iota(jnp.int32, (TB, TB), 1)
        tri_ref[...] = (r >= c).astype(jnp.float32)

    onehot = (eids == eidx).astype(jnp.float32)
    cnt = jnp.dot(tri_ref[...], onehot, preferred_element_type=jnp.float32)
    cnt = cnt + carry_ref[...]
    carry_ref[...] = cnt[TB - 1:TB, :]
    pos = jnp.sum(onehot * cnt, axis=1, keepdims=True).astype(jnp.int32) - 1
    valid = pos < C_
    slot = eidx * C_ + jnp.minimum(pos, C_ - 1)
    slot_ref[...] = slot.reshape(TB)
    gmul_ref[...] = jnp.where(valid, gval, 0.0).reshape(TB)


def _gating(xf, wg):
    return pl.pallas_call(
        _gate_body,
        grid=(T_ // TB,),
        in_specs=[
            pl.BlockSpec((TB, D_), lambda i: (i, 0)),
            pl.BlockSpec((D_, E_), lambda i: (0, 0)),
        ],
        out_specs=[
            pl.BlockSpec((TB,), lambda i: (i,)),
            pl.BlockSpec((TB,), lambda i: (i,)),
        ],
        out_shape=[
            jax.ShapeDtypeStruct((T_,), jnp.int32),
            jax.ShapeDtypeStruct((T_,), jnp.float32),
        ],
        scratch_shapes=[pltpu.VMEM((1, E_), jnp.float32),
                        pltpu.VMEM((TB, TB), jnp.float32)],
    )(xf, wg)



def _scatter_body(slot_hbm, gmul_hbm, x_hbm, bufx_hbm, sl_v, gm_v, rows_v, sem):
    wid = lax.axis_index("c") * NS + lax.axis_index("s")
    base = wid * TPW
    pltpu.sync_copy(slot_hbm.at[pl.ds(base, TPW)], sl_v)
    pltpu.sync_copy(gmul_hbm.at[pl.ds(base, TPW)], gm_v)
    for v in range(TPW // 16):
        sl = sl_v[pl.ds(v * 16, 16)]
        gm = gm_v[pl.ds(v * 16, 16)]
        idx = jnp.where(gm > 0.0, sl, NSLOT + wid)
        pltpu.sync_copy(x_hbm.at[pl.ds(base + v * 16, 16)], rows_v)
        pltpu.async_copy(rows_v, bufx_hbm.at[idx], sem).wait()


def _scatter(slot, gmul, xf):
    mesh = plsc.VectorSubcoreMesh(core_axis_name="c", subcore_axis_name="s")
    return pl.kernel(
        _scatter_body,
        out_type=jax.ShapeDtypeStruct((RBUF, D_), jnp.float32),
        mesh=mesh,
        scratch_types=[
            pltpu.VMEM((TPW,), jnp.int32),
            pltpu.VMEM((TPW,), jnp.float32),
            pltpu.VMEM((16, D_), jnp.float32),
            pltpu.SemaphoreType.DMA,
        ],
    )(slot, gmul, xf)



def _ffn_body(bufx_ref, w1a_ref, w1b_ref, b1_ref, w2s_ref, b2_ref,
              out_ref, acc_ref, xb_ref):
    e = pl.program_id(0)
    ht = pl.program_id(1)

    @pl.when(ht == 0)
    def _():
        xb_ref[...] = bufx_ref[...].astype(jnp.bfloat16)

    w1a = w1a_ref[0].astype(jnp.bfloat16)
    w1b = w1b_ref[0].astype(jnp.bfloat16)
    hblk = (jnp.dot(xb_ref[:, :D2], w1a, preferred_element_type=jnp.float32)
            + jnp.dot(xb_ref[:, D2:], w1b, preferred_element_type=jnp.float32))
    hblk = jnp.maximum(hblk + b1_ref[0], 0.0)
    part = jnp.dot(hblk, w2s_ref[0], preferred_element_type=jnp.float32)

    @pl.when(ht == 0)
    def _():
        acc_ref[...] = part + jnp.sum(b2_ref[0])

    @pl.when(ht != 0)
    def _():
        acc_ref[...] += part

    @pl.when(ht == H_ // HT - 1)
    def _():
        out_ref[pl.ds(e * C_, C_)] = acc_ref[...].reshape(C_)


def _ffn(bufx, w1, b1r, w2s, b2r):
    return pl.pallas_call(
        _ffn_body,
        grid=(E_, H_ // HT),
        in_specs=[
            pl.BlockSpec((C_, D_), lambda e, h: (e, 0)),
            pl.BlockSpec((1, D2, HT), lambda e, h: (e, 0, h)),
            pl.BlockSpec((1, D2, HT), lambda e, h: (e, 1, h)),
            pl.BlockSpec((1, 1, HT), lambda e, h: (e, 0, h)),
            pl.BlockSpec((1, HT, 1), lambda e, h: (e, h, 0)),
            pl.BlockSpec((1, 1, D_), lambda e, h: (e, 0, 0)),
        ],
        out_specs=pl.BlockSpec((NSLOT,), lambda e, h: (0,)),
        out_shape=jax.ShapeDtypeStruct((NSLOT,), jnp.float32),
        scratch_shapes=[pltpu.VMEM((C_, 1), jnp.float32),
                        pltpu.VMEM((C_, D_), jnp.bfloat16)],
    )(bufx, w1, w1, b1r, w2s, b2r)



def _combine_body(slot_hbm, gmul_hbm, s1_hbm, z_hbm, sl_v, gm_v, val_v, z_v, sem):
    wid = lax.axis_index("c") * NS + lax.axis_index("s")
    base = wid * TPW
    pltpu.sync_copy(slot_hbm.at[pl.ds(base, TPW)], sl_v)
    pltpu.sync_copy(gmul_hbm.at[pl.ds(base, TPW)], gm_v)
    pltpu.async_copy(s1_hbm.at[sl_v], val_v, sem).wait()
    for v in range(TPW // 16):
        z_v[pl.ds(v * 16, 16)] = (val_v[pl.ds(v * 16, 16)]
                                  * gm_v[pl.ds(v * 16, 16)])
    row = wid // (S_ // TPW)
    col = (wid % (S_ // TPW)) * TPW
    pltpu.sync_copy(z_v, z_hbm.at[row, pl.ds(col, TPW)])


def _combine(slot, gmul, s1):
    mesh = plsc.VectorSubcoreMesh(core_axis_name="c", subcore_axis_name="s")
    return pl.kernel(
        _combine_body,
        out_type=jax.ShapeDtypeStruct((B_, S_), jnp.float32),
        mesh=mesh,
        scratch_types=[
            pltpu.VMEM((TPW,), jnp.int32),
            pltpu.VMEM((TPW,), jnp.float32),
            pltpu.VMEM((TPW,), jnp.float32),
            pltpu.VMEM((TPW,), jnp.float32),
            pltpu.SemaphoreType.DMA,
        ],
    )(slot, gmul, s1)



def _lsm_body(z_ref, out_ref):
    z = z_ref[...]
    m = jnp.max(z, axis=1, keepdims=True)
    out_ref[...] = z - m - jnp.log(jnp.sum(jnp.exp(z - m), axis=1, keepdims=True))


def _lsm(z2):
    return pl.pallas_call(
        _lsm_body,
        out_shape=jax.ShapeDtypeStruct((B_, S_), jnp.float32),
    )(z2)




def kernel(input, Wg, W1, b1, W2, b2):
    xf = input.reshape(T_, D_)
    w2s = _w2sum(W2)
    slot, gmul = _gating(xf, Wg)
    bufx = _scatter(slot, gmul, xf)
    s1 = _ffn(bufx, W1, b1.reshape(E_, 1, H_), w2s, b2.reshape(E_, 1, D_))
    z2 = _combine(slot, gmul, s1)
    return _lsm(z2)

# --- scband reference (transcript-rebuilt; emitter-appended) ---
"""Pipeline reference for scband-example-model-4209067950430 (READ-ONLY COPY).

The authoritative reference and input builder live on the scoring server;
editing this copy changes nothing except your own understanding.
"""

import jax, jax.numpy as jnp
import numpy as np

B, S, D, H, E = 2, 2048, 1024, 2048, 8
CAP_FACTOR = 1.25


def setup_inputs(seed: int = 0) -> dict:
    key = jax.random.key(seed)
    ks = jax.random.split(key, 6)
    x = jax.random.normal(ks[0], (B, S, D), dtype=jnp.float32)
    Wg = jax.random.normal(ks[1], (D, E), dtype=jnp.float32) * 0.02
    W1 = jax.random.normal(ks[2], (E, D, H), dtype=jnp.float32) * (1.0 / np.sqrt(D))
    b1 = jnp.zeros((E, H), dtype=jnp.float32)
    W2 = jax.random.normal(ks[3], (E, H, D), dtype=jnp.float32) * (1.0 / np.sqrt(H))
    b2 = jnp.zeros((E, D), dtype=jnp.float32)
    return {"input": x, "Wg": Wg, "W1": W1, "b1": b1, "W2": W2, "b2": b2}


def reference(input, Wg, W1, b1, W2, b2):
    Bz, Sz, Dz = input.shape
    T = Bz * Sz
    xf = input.reshape(T, Dz)
    # top-1 gate
    logits = xf @ Wg                                    # [T, E]
    gates = jax.nn.softmax(logits, axis=-1)
    eidx = jnp.argmax(logits, axis=-1)                  # [T]
    gval = jnp.take_along_axis(gates, eidx[:, None], axis=1)[:, 0]
    # capacity-based dispatch (tutel-style)
    mask = jax.nn.one_hot(eidx, E, dtype=jnp.int32)     # [T, E]
    pos = jnp.sum(jnp.cumsum(mask, axis=0) * mask, axis=1) - 1  # position within expert
    C = int(np.ceil(CAP_FACTOR * T / E))
    valid = (pos < C)
    pos_c = jnp.clip(pos, 0, C - 1)
    vmask = valid.astype(xf.dtype)
    buf = jnp.zeros((E, C, Dz), dtype=xf.dtype).at[eidx, pos_c].add(xf * vmask[:, None])
    # expert FFN with relu
    h = jax.nn.relu(jnp.einsum('ecd,edh->ech', buf, W1) + b1[:, None, :])
    out = jnp.einsum('ech,ehd->ecd', h, W2) + b2[:, None, :]
    # combine (gather) and scale by gate value
    yf = out[eidx, pos_c] * (gval * vmask)[:, None]
    y = yf.reshape(Bz, Sz, Dz)
    # result = log_softmax(sum over model dim, dim=2), over dim=1
    return jax.nn.log_softmax(jnp.sum(y, axis=2), axis=1)

if __name__ == "__main__":
    import jax
    _d = setup_inputs()
    print(jax.jit(kernel)(*tuple(_d.values())))

</pallas_src>

<mosaic_0001>
#map = affine_map<(d0, d1) -> (0)>
#map1 = affine_map<(d0, d1) -> (0, 0)>
module attributes {stable_mosaic.version = 14 : i64} {
  func.func @_combine_body(%arg0: i32, %arg1: i32, %arg2: memref<4096xi32, #tpu.memory_space<hbm>>, %arg3: memref<4096xf32, #tpu.memory_space<hbm>>, %arg4: memref<5120xf32, #tpu.memory_space<hbm>>, %arg5: memref<2x2048xf32, #tpu.memory_space<hbm>>, %arg6: memref<128xi32, #tpu.memory_space<vmem>>, %arg7: memref<128xf32, #tpu.memory_space<vmem>>, %arg8: memref<128xf32, #tpu.memory_space<vmem>>, %arg9: memref<128xf32, #tpu.memory_space<vmem>>, %arg10: memref<!tpu.dma_semaphore, #tpu.memory_space<semaphore_mem>>) attributes {dimension_semantics = [#tpu.dimension_semantics<core_parallel>, #tpu.dimension_semantics<subcore_parallel>], iteration_bounds = array<i64: 2, 16>, scalar_prefetch = 0 : i64, scratch_operands = 5 : i64, tpu.core_type = #tpu.core_type<sc_vector_subcore>, window_params = [{transform_indices = #map}, {transform_indices = #map}, {transform_indices = #map}, {transform_indices = #map1}]} {
    %mul3A = arith.constant 16 : i32
    %mul3A_0 = arith.muli %arg0, %mul3A : i32
    %add3A = arith.addi %mul3A_0, %arg1 : i32
    %mul3A_1 = arith.constant 128 : i32
    %mul3A_2 = arith.muli %add3A, %mul3A_1 : i32
    "tpu.region"() ({
      %run_scoped3A = tpu.sem_alloc : memref<!tpu.dma_semaphore, #tpu.memory_space<semaphore_mem>>
      %dma_start3A_123 = tpu.memref_slice %arg2[%mul3A_2] : memref<4096xi32, #tpu.memory_space<hbm>> -> memref<128xi32, #tpu.memory_space<hbm>>
      %dma_start3A_124 = tpu.memref_slice %arg2[%mul3A_2] : memref<4096xi32, #tpu.memory_space<hbm>> -> memref<128xi32, #tpu.memory_space<hbm>>
      tpu.enqueue_dma source(%dma_start3A_124 : memref<128xi32, #tpu.memory_space<hbm>>) target(%arg6 : memref<128xi32, #tpu.memory_space<vmem>>) target_semaphore(%run_scoped3A : memref<!tpu.dma_semaphore, #tpu.memory_space<semaphore_mem>>)
      %dma_wait3A_125 = tpu.memref_slice %arg2[%mul3A_2] : memref<4096xi32, #tpu.memory_space<hbm>> -> memref<128xi32, #tpu.memory_space<hbm>>
      %dma_wait3A_126 = tpu.memref_slice %arg2[%mul3A_2] : memref<4096xi32, #tpu.memory_space<hbm>> -> memref<128xi32, #tpu.memory_space<hbm>>
      tpu.wait_dma2 semaphore(%run_scoped3A : memref<!tpu.dma_semaphore, #tpu.memory_space<semaphore_mem>>) src(%dma_wait3A_126 : memref<128xi32, #tpu.memory_space<hbm>>) dst(%arg6 : memref<128xi32, #tpu.memory_space<vmem>>)
      tpu.yield
    }) : () -> ()
    "tpu.region"() ({
      %run_scoped3A = tpu.sem_alloc : memref<!tpu.dma_semaphore, #tpu.memory_space<semaphore_mem>>
      %dma_start3A_123 = tpu.memref_slice %arg3[%mul3A_2] : memref<4096xf32, #tpu.memory_space<hbm>> -> memref<128xf32, #tpu.memory_space<hbm>>
      %dma_start3A_124 = tpu.memref_slice %arg3[%mul3A_2] : memref<4096xf32, #tpu.memory_space<hbm>> -> memref<128xf32, #tpu.memory_space<hbm>>
      tpu.enqueue_dma source(%dma_start3A_124 : memref<128xf32, #tpu.memory_space<hbm>>) target(%arg7 : memref<128xf32, #tpu.memory_space<vmem>>) target_semaphore(%run_scoped3A : memref<!tpu.dma_semaphore, #tpu.memory_space<semaphore_mem>>)
      %dma_wait3A_125 = tpu.memref_slice %arg3[%mul3A_2] : memref<4096xf32, #tpu.memory_space<hbm>> -> memref<128xf32, #tpu.memory_space<hbm>>
      %dma_wait3A_126 = tpu.memref_slice %arg3[%mul3A_2] : memref<4096xf32, #tpu.memory_space<hbm>> -> memref<128xf32, #tpu.memory_space<hbm>>
      tpu.wait_dma2 semaphore(%run_scoped3A : memref<!tpu.dma_semaphore, #tpu.memory_space<semaphore_mem>>) src(%dma_wait3A_126 : memref<128xf32, #tpu.memory_space<hbm>>) dst(%arg7 : memref<128xf32, #tpu.memory_space<vmem>>)
      tpu.yield
    }) : () -> ()
    %dma_start3A = arith.constant 0 : i32
    %dma_start3A_3 = tpu.memref_slice %arg4[%dma_start3A] : memref<5120xf32, #tpu.memory_space<hbm>> -> memref<5120xf32, #tpu.memory_space<hbm>>
    tpu.enqueue_indirect_dma source(%dma_start3A_3 : memref<5120xf32, #tpu.memory_space<hbm>>) target(%arg8 : memref<128xf32, #tpu.memory_space<vmem>>) offsets(%arg6 : memref<128xi32, #tpu.memory_space<vmem>>) semaphore(%arg10 : memref<!tpu.dma_semaphore, #tpu.memory_space<semaphore_mem>>)
    %dma_wait3A = arith.constant 0 : i32
    %dma_wait3A_4 = tpu.memref_slice %arg4[%dma_wait3A] : memref<5120xf32, #tpu.memory_space<hbm>> -> memref<5120xf32, #tpu.memory_space<hbm>>
    tpu.wait_indirect_dma semaphore(%arg10 : memref<!tpu.dma_semaphore, #tpu.memory_space<semaphore_mem>>) src(%dma_wait3A_4 : memref<5120xf32, #tpu.memory_space<hbm>>) dst(%arg8 : memref<128xf32, #tpu.memory_space<vmem>>)
    %get3A = arith.constant 0 : index
    %get3A_5 = tpu.vector_load %arg8[%get3A] {strides = array<i32>} : memref<128xf32, #tpu.memory_space<vmem>>, vector<16xf32>,
    %get3A_6 = vector.shape_cast %get3A_5 : vector<16xf32> to vector<16xf32>
    %get3A_7 = arith.constant 0 : index
    %get3A_8 = tpu.vector_load %arg7[%get3A_7] {strides = array<i32>} : memref<128xf32, #tpu.memory_space<vmem>>, vector<16xf32>,
    %get3A_9 = vector.shape_cast %get3A_8 : vector<16xf32> to vector<16xf32>
    %mul3A_10 = arith.mulf %get3A_6, %get3A_9 : vector<16xf32>
    %swap3A = arith.constant 0 : index
    %swap3A_11 = tpu.vector_load %arg9[%swap3A] {strides = array<i32>} : memref<128xf32, #tpu.memory_space<vmem>>, vector<16xf32>,
    %swap3A_12 = vector.shape_cast %swap3A_11 : vector<16xf32> to vector<16xf32>
    %swap3A_13 = vector.shape_cast %mul3A_10 : vector<16xf32> to vector<16xf32>
    tpu.vector_store %arg9[%swap3A], %swap3A_13 {strides = array<i32>} : memref<128xf32, #tpu.memory_space<vmem>>, vector<16xf32>,
    %get3A_14 = arith.constant 16 : index
    %get3A_15 = tpu.vector_load %arg8[%get3A_14] {strides = array<i32>} : memref<128xf32, #tpu.memory_space<vmem>>, vector<16xf32>,
    %get3A_16 = vector.shape_cast %get3A_15 : vector<16xf32> to vector<16xf32>
    %get3A_17 = arith.constant 16 : index
    %get3A_18 = tpu.vector_load %arg7[%get3A_17] {strides = array<i32>} : memref<128xf32, #tpu.memory_space<vmem>>, vector<16xf32>,
    %get3A_19 = vector.shape_cast %get3A_18 : vector<16xf32> to vector<16xf32>
    %mul3A_20 = arith.mulf %get3A_16, %get3A_19 : vector<16xf32>
    %swap3A_21 = arith.constant 16 : index
    %swap3A_22 = tpu.vector_load %arg9[%swap3A_21] {strides = array<i32>} : memref<128xf32, #tpu.memory_space<vmem>>, vector<16xf32>,
    %swap3A_23 = vector.shape_cast %swap3A_22 : vector<16xf32> to vector<16xf32>
    %swap3A_24 = vector.shape_cast %mul3A_20 : vector<16xf32> to vector<16xf32>
    tpu.vector_store %arg9[%swap3A_21], %swap3A_24 {strides = array<i32>} : memref<128xf32, #tpu.memory_space<vmem>>, vector<16xf32>,
    %get3A_25 = arith.constant 32 : index
    %get3A_26 = tpu.vector_load %arg8[%get3A_25] {strides = array<i32>} : memref<128xf32, #tpu.memory_space<vmem>>, vector<16xf32>,
    %get3A_27 = vector.shape_cast %get3A_26 : vector<16xf32> to vector<16xf32>
    %get3A_28 = arith.constant 32 : index
    %get3A_29 = tpu.vector_load %arg7[%get3A_28] {strides = array<i32>} : memref<128xf32, #tpu.memory_space<vmem>>, vector<16xf32>,
    %get3A_30 = vector.shape_cast %get3A_29 : vector<16xf32> to vector<16xf32>
    %mul3A_31 = arith.mulf %get3A_27, %get3A_30 : vector<16xf32>
    %swap3A_32 = arith.constant 32 : index
    %swap3A_33 = tpu.vector_load %arg9[%swap3A_32] {strides = array<i32>} : memref<128xf32, #tpu.memory_space<vmem>>, vector<16xf32>,
    %swap3A_34 = vector.shape_cast %swap3A_33 : vector<16xf32> to vector<16xf32>
    %swap3A_35 = vector.shape_cast %mul3A_31 : vector<16xf32> to vector<16xf32>
    tpu.vector_store %arg9[%swap3A_32], %swap3A_35 {strides = array<i32>} : memref<128xf32, #tpu.memory_space<vmem>>, vector<16xf32>,
    %get3A_36 = arith.constant 48 : index
    %get3A_37 = tpu.vector_load %arg8[%get3A_36] {strides = array<i32>} : memref<128xf32, #tpu.memory_space<vmem>>, vector<16xf32>,
    %get3A_38 = vector.shape_cast %get3A_37 : vector<16xf32> to vector<16xf32>
    %get3A_39 = arith.constant 48 : index
    %get3A_40 = tpu.vector_load %arg7[%get3A_39] {strides = array<i32>} : memref<128xf32, #tpu.memory_space<vmem>>, vector<16xf32>,
    %get3A_41 = vector.shape_cast %get3A_40 : vector<16xf32> to vector<16xf32>
    %mul3A_42 = arith.mulf %get3A_38, %get3A_41 : vector<16xf32>
    %swap3A_43 = arith.constant 48 : index
    %swap3A_44 = tpu.vector_load %arg9[%swap3A_43] {strides = array<i32>} : memref<128xf32, #tpu.memory_space<vmem>>, vector<16xf32>,
    %swap3A_45 = vector.shape_cast %swap3A_44 : vector<16xf32> to vector<16xf32>
    %swap3A_46 = vector.shape_cast %mul3A_42 : vector<16xf32> to vector<16xf32>
    tpu.vector_store %arg9[%swap3A_43], %swap3A_46 {strides = array<i32>} : memref<128xf32, #tpu.memory_space<vmem>>, vector<16xf32>,
    %get3A_47 = arith.constant 64 : index
    %get3A_48 = tpu.vector_load %arg8[%get3A_47] {strides = array<i32>} : memref<128xf32, #tpu.memory_space<vmem>>, vector<16xf32>,
    %get3A_49 = vector.shape_cast %get3A_48 : vector<16xf32> to vector<16xf32>
    %get3A_50 = arith.constant 64 : index
    %get3A_51 = tpu.vector_load %arg7[%get3A_50] {strides = array<i32>} : memref<128xf32, #tpu.memory_space<vmem>>, vector<16xf32>,
    %get3A_52 = vector.shape_cast %get3A_51 : vector<16xf32> to vector<16xf32>
    %mul3A_53 = arith.mulf %get3A_49, %get3A_52 : vector<16xf32>
    %swap3A_54 = arith.constant 64 : index
    %swap3A_55 = tpu.vector_load %arg9[%swap3A_54] {strides = array<i32>} : memref<128xf32, #tpu.memory_space<vmem>>, vector<16xf32>,
    %swap3A_56 = vector.shape_cast %swap3A_55 : vector<16xf32> to vector<16xf32>
    %swap3A_57 = vector.shape_cast %mul3A_53 : vector<16xf32> to vector<16xf32>
    tpu.vector_store %arg9[%swap3A_54], %swap3A_57 {strides = array<i32>} : memref<128xf32, #tpu.memory_space<vmem>>, vector<16xf32>,
    %get3A_58 = arith.constant 80 : index
    %get3A_59 = tpu.vector_load %arg8[%get3A_58] {strides = array<i32>} : memref<128xf32, #tpu.memory_space<vmem>>, vector<16xf32>,
    %get3A_60 = vector.shape_cast %get3A_59 : vector<16xf32> to vector<16xf32>
    %get3A_61 = arith.constant 80 : index
    %get3A_62 = tpu.vector_load %arg7[%get3A_61] {strides = array<i32>} : memref<128xf32, #tpu.memory_space<vmem>>, vector<16xf32>,
    %get3A_63 = vector.shape_cast %get3A_62 : vector<16xf32> to vector<16xf32>
    %mul3A_64 = arith.mulf %get3A_60, %get3A_63 : vector<16xf32>
    %swap3A_65 = arith.constant 80 : index
    %swap3A_66 = tpu.vector_load %arg9[%swap3A_65] {strides = array<i32>} : memref<128xf32, #tpu.memory_space<vmem>>, vector<16xf32>,
    %swap3A_67 = vector.shape_cast %swap3A_66 : vector<16xf32> to vector<16xf32>
    %swap3A_68 = vector.shape_cast %mul3A_64 : vector<16xf32> to vector<16xf32>
    tpu.vector_store %arg9[%swap3A_65], %swap3A_68 {strides = array<i32>} : memref<128xf32, #tpu.memory_space<vmem>>, vector<16xf32>,
    %get3A_69 = arith.constant 96 : index
    %get3A_70 = tpu.vector_load %arg8[%get3A_69] {strides = array<i32>} : memref<128xf32, #tpu.memory_space<vmem>>, vector<16xf32>,
    %get3A_71 = vector.shape_cast %get3A_70 : vector<16xf32> to vector<16xf32>
    %get3A_72 = arith.constant 96 : index
    %get3A_73 = tpu.vector_load %arg7[%get3A_72] {strides = array<i32>} : memref<128xf32, #tpu.memory_space<vmem>>, vector<16xf32>,
    %get3A_74 = vector.shape_cast %get3A_73 : vector<16xf32> to vector<16xf32>
    %mul3A_75 = arith.mulf %get3A_71, %get3A_74 : vector<16xf32>
    %swap3A_76 = arith.constant 96 : index
    %swap3A_77 = tpu.vector_load %arg9[%swap3A_76] {strides = array<i32>} : memref<128xf32, #tpu.memory_space<vmem>>, vector<16xf32>,
    %swap3A_78 = vector.shape_cast %swap3A_77 : vector<16xf32> to vector<16xf32>
    %swap3A_79 = vector.shape_cast %mul3A_75 : vector<16xf32> to vector<16xf32>
    tpu.vector_store %arg9[%swap3A_76], %swap3A_79 {strides = array<i32>} : memref<128xf32, #tpu.memory_space<vmem>>, vector<16xf32>,
    %get3A_80 = arith.constant 112 : index
    %get3A_81 = tpu.vector_load %arg8[%get3A_80] {strides = array<i32>} : memref<128xf32, #tpu.memory_space<vmem>>, vector<16xf32>,
    %get3A_82 = vector.shape_cast %get3A_81 : vector<16xf32> to vector<16xf32>
    %get3A_83 = arith.constant 112 : index
    %get3A_84 = tpu.vector_load %arg7[%get3A_83] {strides = array<i32>} : memref<128xf32, #tpu.memory_space<vmem>>, vector<16xf32>,
    %get3A_85 = vector.shape_cast %get3A_84 : vector<16xf32> to vector<16xf32>
    %mul3A_86 = arith.mulf %get3A_82, %get3A_85 : vector<16xf32>
    %swap3A_87 = arith.constant 112 : index
    %swap3A_88 = tpu.vector_load %arg9[%swap3A_87] {strides = array<i32>} : memref<128xf32, #tpu.memory_space<vmem>>, vector<16xf32>,
    %swap3A_89 = vector.shape_cast %swap3A_88 : vector<16xf32> to vector<16xf32>
    %swap3A_90 = vector.shape_cast %mul3A_86 : vector<16xf32> to vector<16xf32>
    tpu.vector_store %arg9[%swap3A_87], %swap3A_90 {strides = array<i32>} : memref<128xf32, #tpu.memory_space<vmem>>, vector<16xf32>,
    %jit3A = arith.constant 16 : i32
    %div3A = arith.divsi %add3A, %jit3A : i32
    %sign3A = arith.constant 0 : i32
    %sign3A_91 = arith.cmpi sgt, %add3A, %sign3A : i32
    %sign3A_92 = arith.extui %sign3A_91 : i1 to i32
    %sign3A_93 = arith.constant 0 : i32
    %sign3A_94 = arith.cmpi slt, %add3A, %sign3A_93 : i32
    %sign3A_95 = arith.extui %sign3A_94 : i1 to i32
    %sign3A_96 = arith.subi %sign3A_92, %sign3A_95 : i32
    %sign3A_97 = arith.constant 0 : i32
    %sign3A_98 = arith.cmpi sgt, %jit3A, %sign3A_97 : i32
    %sign3A_99 = arith.extui %sign3A_98 : i1 to i32
    %sign3A_100 = arith.constant 0 : i32
    %sign3A_101 = arith.cmpi slt, %jit3A, %sign3A_100 : i32
    %sign3A_102 = arith.extui %sign3A_101 : i1 to i32
    %sign3A_103 = arith.subi %sign3A_99, %sign3A_102 : i32
    %ne3A = arith.cmpi ne, %sign3A_96, %sign3A_103 : i32
    %rem3A = arith.remsi %add3A, %jit3A : i32
    %ne3A_104 = arith.constant 0 : i32
    %ne3A_105 = arith.cmpi ne, %rem3A, %ne3A_104 : i32
    %and3A = arith.andi %ne3A, %ne3A_105 : i1
    %sub3A = arith.constant 1 : i32
    %sub3A_106 = arith.subi %div3A, %sub3A : i32
    %select_n3A = arith.select %and3A, %sub3A_106, %div3A : i32
    %jit3A_107 = arith.constant 16 : i32
    %eq3A = arith.constant 0 : i32
    %eq3A_108 = arith.cmpi eq, %jit3A_107, %eq3A : i32
    %jit3A_109 = arith.constant 1 : i32
    %select_n3A_110 = arith.select %eq3A_108, %jit3A_109, %jit3A_107 : i32
    %rem3A_111 = arith.remsi %add3A, %select_n3A_110 : i32
    %ne3A_112 = arith.constant 0 : i32
    %ne3A_113 = arith.cmpi ne, %rem3A_111, %ne3A_112 : i32
    %lt3A = arith.constant 0 : i32
    %lt3A_114 = arith.cmpi slt, %rem3A_111, %lt3A : i32
    %lt3A_115 = arith.constant 0 : i32
    %lt3A_116 = arith.cmpi slt, %select_n3A_110, %lt3A_115 : i32
    %ne3A_117 = arith.xori %lt3A_114, %lt3A_116 : i1
    %and3A_118 = arith.andi %ne3A_117, %ne3A_113 : i1
    %add3A_119 = arith.addi %rem3A_111, %select_n3A_110 : i32
    %select_n3A_120 = arith.select %and3A_118, %add3A_119, %rem3A_111 : i32
    %mul3A_121 = arith.constant 128 : i32
    %mul3A_122 = arith.muli %select_n3A_120, %mul3A_121 : i32
    "tpu.region"() ({
      %run_scoped3A = tpu.sem_alloc : memref<!tpu.dma_semaphore, #tpu.memory_space<semaphore_mem>>
      %dma_start3A_123 = tpu.memref_slice %arg5[%select_n3A, %mul3A_122] : memref<2x2048xf32, #tpu.memory_space<hbm>> -> memref<1x128xf32, #tpu.memory_space<hbm>>
      %dma_start3A_124 = tpu.memref_squeeze %dma_start3A_123 : memref<1x128xf32, #tpu.memory_space<hbm>> -> memref<128xf32, #tpu.memory_space<hbm>>
      %dma_start3A_125 = tpu.memref_slice %arg5[%select_n3A, %mul3A_122] : memref<2x2048xf32, #tpu.memory_space<hbm>> -> memref<1x128xf32, #tpu.memory_space<hbm>>
      %dma_start3A_126 = tpu.memref_squeeze %dma_start3A_125 : memref<1x128xf32, #tpu.memory_space<hbm>> -> memref<128xf32, #tpu.memory_space<hbm>>
      tpu.enqueue_dma source(%arg9 : memref<128xf32, #tpu.memory_space<vmem>>) target(%dma_start3A_126 : memref<128xf32, #tpu.memory_space<hbm>>) target_semaphore(%run_scoped3A : memref<!tpu.dma_semaphore, #tpu.memory_space<semaphore_mem>>)
      %dma_wait3A_127 = tpu.memref_slice %arg5[%select_n3A, %mul3A_122] : memref<2x2048xf32, #tpu.memory_space<hbm>> -> memref<1x128xf32, #tpu.memory_space<hbm>>
      %dma_wait3A_128 = tpu.memref_squeeze %dma_wait3A_127 : memref<1x128xf32, #tpu.memory_space<hbm>> -> memref<128xf32, #tpu.memory_space<hbm>>
      %dma_wait3A_129 = tpu.memref_slice %arg5[%select_n3A, %mul3A_122] : memref<2x2048xf32, #tpu.memory_space<hbm>> -> memref<1x128xf32, #tpu.memory_space<hbm>>
      %dma_wait3A_130 = tpu.memref_squeeze %dma_wait3A_129 : memref<1x128xf32, #tpu.memory_space<hbm>> -> memref<128xf32, #tpu.memory_space<hbm>>
      tpu.wait_dma2 semaphore(%run_scoped3A : memref<!tpu.dma_semaphore, #tpu.memory_space<semaphore_mem>>) src(%arg9 : memref<128xf32, #tpu.memory_space<vmem>>) dst(%dma_wait3A_130 : memref<128xf32, #tpu.memory_space<hbm>>)
      tpu.yield
    }) : () -> ()
    return
  }
}

#map = affine_map<(d0, d1) -> (0)>
#map1 = affine_map<(d0, d1) -> (0, 0)>
module attributes {stable_mosaic.version = 14 : i64} {
  func.func @_scatter_body(%arg0: i32, %arg1: i32, %arg2: memref<4096xi32, #tpu.memory_space<hbm>>, %arg3: memref<4096xf32, #tpu.memory_space<hbm>>, %arg4: memref<4096x1024xf32, #tpu.memory_space<hbm>>, %arg5: memref<5152x1024xf32, #tpu.memory_space<hbm>>, %arg6: memref<128xi32, #tpu.memory_space<vmem>>, %arg7: memref<128xf32, #tpu.memory_space<vmem>>, %arg8: memref<16x1024xf32, #tpu.memory_space<vmem>>, %arg9: memref<!tpu.dma_semaphore, #tpu.memory_space<semaphore_mem>>) attributes {dimension_semantics = [#tpu.dimension_semantics<core_parallel>, #tpu.dimension_semantics<subcore_parallel>], iteration_bounds = array<i64: 2, 16>, scalar_prefetch = 0 : i64, scratch_operands = 4 : i64, tpu.core_type = #tpu.core_type<sc_vector_subcore>, window_params = [{transform_indices = #map}, {transform_indices = #map}, {transform_indices = #map1}, {transform_indices = #map1}]} {
    %mul3A = arith.constant 16 : i32
    %mul3A_0 = arith.muli %arg0, %mul3A : i32
    %add3A = arith.addi %mul3A_0, %arg1 : i32
    %mul3A_1 = arith.constant 128 : i32
    %mul3A_2 = arith.muli %add3A, %mul3A_1 : i32
    "tpu.region"() ({
      %run_scoped3A = tpu.sem_alloc : memref<!tpu.dma_semaphore, #tpu.memory_space<semaphore_mem>>
      %dma_start3A_165 = tpu.memref_slice %arg2[%mul3A_2] : memref<4096xi32, #tpu.memory_space<hbm>> -> memref<128xi32, #tpu.memory_space<hbm>>
      %dma_start3A_166 = tpu.memref_slice %arg2[%mul3A_2] : memref<4096xi32, #tpu.memory_space<hbm>> -> memref<128xi32, #tpu.memory_space<hbm>>
      tpu.enqueue_dma source(%dma_start3A_166 : memref<128xi32, #tpu.memory_space<hbm>>) target(%arg6 : memref<128xi32, #tpu.memory_space<vmem>>) target_semaphore(%run_scoped3A : memref<!tpu.dma_semaphore, #tpu.memory_space<semaphore_mem>>)
      %dma_wait3A_167 = tpu.memref_slice %arg2[%mul3A_2] : memref<4096xi32, #tpu.memory_space<hbm>> -> memref<128xi32, #tpu.memory_space<hbm>>
      %dma_wait3A_168 = tpu.memref_slice %arg2[%mul3A_2] : memref<4096xi32, #tpu.memory_space<hbm>> -> memref<128xi32, #tpu.memory_space<hbm>>
      tpu.wait_dma2 semaphore(%run_scoped3A : memref<!tpu.dma_semaphore, #tpu.memory_space<semaphore_mem>>) src(%dma_wait3A_168 : memref<128xi32, #tpu.memory_space<hbm>>) dst(%arg6 : memref<128xi32, #tpu.memory_space<vmem>>)
      tpu.yield
    }) : () -> ()
    "tpu.region"() ({
      %run_scoped3A = tpu.sem_alloc : memref<!tpu.dma_semaphore, #tpu.memory_space<semaphore_mem>>
      %dma_start3A_165 = tpu.memref_slice %arg3[%mul3A_2] : memref<4096xf32, #tpu.memory_space<hbm>> -> memref<128xf32, #tpu.memory_space<hbm>>
      %dma_start3A_166 = tpu.memref_slice %arg3[%mul3A_2] : memref<4096xf32, #tpu.memory_space<hbm>> -> memref<128xf32, #tpu.memory_space<hbm>>
      tpu.enqueue_dma source(%dma_start3A_166 : memref<128xf32, #tpu.memory_space<hbm>>) target(%arg7 : memref<128xf32, #tpu.memory_space<vmem>>) target_semaphore(%run_scoped3A : memref<!tpu.dma_semaphore, #tpu.memory_space<semaphore_mem>>)
      %dma_wait3A_167 = tpu.memref_slice %arg3[%mul3A_2] : memref<4096xf32, #tpu.memory_space<hbm>> -> memref<128xf32, #tpu.memory_space<hbm>>
      %dma_wait3A_168 = tpu.memref_slice %arg3[%mul3A_2] : memref<4096xf32, #tpu.memory_space<hbm>> -> memref<128xf32, #tpu.memory_space<hbm>>
      tpu.wait_dma2 semaphore(%run_scoped3A : memref<!tpu.dma_semaphore, #tpu.memory_space<semaphore_mem>>) src(%dma_wait3A_168 : memref<128xf32, #tpu.memory_space<hbm>>) dst(%arg7 : memref<128xf32, #tpu.memory_space<vmem>>)
      tpu.yield
    }) : () -> ()
    %get3A = arith.constant 0 : index
    %get3A_3 = tpu.vector_load %arg6[%get3A] {strides = array<i32>} : memref<128xi32, #tpu.memory_space<vmem>>, vector<16xi32>,
    %get3A_4 = vector.shape_cast %get3A_3 : vector<16xi32> to vector<16xi32>
    %get3A_5 = arith.constant 0 : index
    %get3A_6 = tpu.vector_load %arg7[%get3A_5] {strides = array<i32>} : memref<128xf32, #tpu.memory_space<vmem>>, vector<16xf32>,
    %get3A_7 = vector.shape_cast %get3A_6 : vector<16xf32> to vector<16xf32>
    %gt3A = arith.constant 0.000000e+00 : f32
    %gt3A_8 = vector.broadcast %gt3A : f32 to vector<16xf32>
    %gt3A_9 = arith.cmpf ogt, %get3A_7, %gt3A_8 : vector<16xf32>
    %add3A_10 = arith.constant 5120 : i32
    %add3A_11 = arith.addi %add3A_10, %add3A : i32
    %broadcast_in_dim3A = vector.broadcast %add3A_11 : i32 to vector<16xi32>
    %select_n3A = arith.select %gt3A_9, %get3A_4, %broadcast_in_dim3A : vector<16xi1>, vector<16xi32>
    %add3A_12 = arith.constant 0 : i32
    %add3A_13 = arith.addi %mul3A_2, %add3A_12 : i32
    "tpu.region"() ({
      %run_scoped3A = tpu.sem_alloc : memref<!tpu.dma_semaphore, #tpu.memory_space<semaphore_mem>>
      %dma_start3A_165 = arith.constant 0 : i32
      %dma_start3A_166 = tpu.memref_slice %arg4[%add3A_13, %dma_start3A_165] : memref<4096x1024xf32, #tpu.memory_space<hbm>> -> memref<16x1024xf32, #tpu.memory_space<hbm>>
      %dma_start3A_167 = arith.constant 0 : i32
      %dma_start3A_168 = tpu.memref_slice %arg4[%add3A_13, %dma_start3A_167] : memref<4096x1024xf32, #tpu.memory_space<hbm>> -> memref<16x1024xf32, #tpu.memory_space<hbm>>
      tpu.enqueue_dma source(%dma_start3A_168 : memref<16x1024xf32, #tpu.memory_space<hbm>>) target(%arg8 : memref<16x1024xf32, #tpu.memory_space<vmem>>) target_semaphore(%run_scoped3A : memref<!tpu.dma_semaphore, #tpu.memory_space<semaphore_mem>>)
      %dma_wait3A_169 = arith.constant 0 : i32
      %dma_wait3A_170 = tpu.memref_slice %arg4[%add3A_13, %dma_wait3A_169] : memref<4096x1024xf32, #tpu.memory_space<hbm>> -> memref<16x1024xf32, #tpu.memory_space<hbm>>
      %dma_wait3A_171 = arith.constant 0 : i32
      %dma_wait3A_172 = tpu.memref_slice %arg4[%add3A_13, %dma_wait3A_171] : memref<4096x1024xf32, #tpu.memory_space<hbm>> -> memref<16x1024xf32, #tpu.memory_space<hbm>>
      tpu.wait_dma2 semaphore(%run_scoped3A : memref<!tpu.dma_semaphore, #tpu.memory_space<semaphore_mem>>) src(%dma_wait3A_172 : memref<16x1024xf32, #tpu.memory_space<hbm>>) dst(%arg8 : memref<16x1024xf32, #tpu.memory_space<vmem>>)
      tpu.yield
    }) : () -> ()
    %dma_start3A = arith.constant 0 : i32
    %dma_start3A_14 = arith.constant 0 : i32
    %dma_start3A_15 = tpu.memref_slice %arg5[%dma_start3A, %dma_start3A_14] : memref<5152x1024xf32, #tpu.memory_space<hbm>> -> memref<5152x1024xf32, #tpu.memory_space<hbm>>
    tpu.enqueue_indirect_dma source(%arg8 : memref<16x1024xf32, #tpu.memory_space<vmem>>) target(%dma_start3A_15 : memref<5152x1024xf32, #tpu.memory_space<hbm>>) offsets(%select_n3A : vector<16xi32>) semaphore(%arg9 : memref<!tpu.dma_semaphore, #tpu.memory_space<semaphore_mem>>)
    %dma_wait3A = arith.constant 0 : i32
    %dma_wait3A_16 = arith.constant 0 : i32
    %dma_wait3A_17 = tpu.memref_slice %arg5[%dma_wait3A, %dma_wait3A_16] : memref<5152x1024xf32, #tpu.memory_space<hbm>> -> memref<5152x1024xf32, #tpu.memory_space<hbm>>
    tpu.wait_indirect_dma semaphore(%arg9 : memref<!tpu.dma_semaphore, #tpu.memory_space<semaphore_mem>>) src(%arg8 : memref<16x1024xf32, #tpu.memory_space<vmem>>) dst(%dma_wait3A_17 : memref<5152x1024xf32, #tpu.memory_space<hbm>>)
    %get3A_18 = arith.constant 16 : index
    %get3A_19 = tpu.vector_load %arg6[%get3A_18] {strides = array<i32>} : memref<128xi32, #tpu.memory_space<vmem>>, vector<16xi32>,
    %get3A_20 = vector.shape_cast %get3A_19 : vector<16xi32> to vector<16xi32>
    %get3A_21 = arith.constant 16 : index
    %get3A_22 = tpu.vector_load %arg7[%get3A_21] {strides = array<i32>} : memref<128xf32, #tpu.memory_space<vmem>>, vector<16xf32>,
    %get3A_23 = vector.shape_cast %get3A_22 : vector<16xf32> to vector<16xf32>
    %gt3A_24 = arith.constant 0.000000e+00 : f32
    %gt3A_25 = vector.broadcast %gt3A_24 : f32 to vector<16xf32>
    %gt3A_26 = arith.cmpf ogt, %get3A_23, %gt3A_25 : vector<16xf32>
    %add3A_27 = arith.constant 5120 : i32
    %add3A_28 = arith.addi %add3A_27, %add3A : i32
    %broadcast_in_dim3A_29 = vector.broadcast %add3A_28 : i32 to vector<16xi32>
    %select_n3A_30 = arith.select %gt3A_26, %get3A_20, %broadcast_in_dim3A_29 : vector<16xi1>, vector<16xi32>
    %add3A_31 = arith.constant 16 : i32
    %add3A_32 = arith.addi %mul3A_2, %add3A_31 : i32
    "tpu.region"() ({
      %run_scoped3A = tpu.sem_alloc : memref<!tpu.dma_semaphore, #tpu.memory_space<semaphore_mem>>
      %dma_start3A_165 = arith.constant 0 : i32
      %dma_start3A_166 = tpu.memref_slice %arg4[%add3A_32, %dma_start3A_165] : memref<4096x1024xf32, #tpu.memory_space<hbm>> -> memref<16x1024xf32, #tpu.memory_space<hbm>>
      %dma_start3A_167 = arith.constant 0 : i32
      %dma_start3A_168 = tpu.memref_slice %arg4[%add3A_32, %dma_start3A_167] : memref<4096x1024xf32, #tpu.memory_space<hbm>> -> memref<16x1024xf32, #tpu.memory_space<hbm>>
      tpu.enqueue_dma source(%dma_start3A_168 : memref<16x1024xf32, #tpu.memory_space<hbm>>) target(%arg8 : memref<16x1024xf32, #tpu.memory_space<vmem>>) target_semaphore(%run_scoped3A : memref<!tpu.dma_semaphore, #tpu.memory_space<semaphore_mem>>)
      %dma_wait3A_169 = arith.constant 0 : i32
      %dma_wait3A_170 = tpu.memref_slice %arg4[%add3A_32, %dma_wait3A_169] : memref<4096x1024xf32, #tpu.memory_space<hbm>> -> memref<16x1024xf32, #tpu.memory_space<hbm>>
      %dma_wait3A_171 = arith.constant 0 : i32
      %dma_wait3A_172 = tpu.memref_slice %arg4[%add3A_32, %dma_wait3A_171] : memref<4096x1024xf32, #tpu.memory_space<hbm>> -> memref<16x1024xf32, #tpu.memory_space<hbm>>
      tpu.wait_dma2 semaphore(%run_scoped3A : memref<!tpu.dma_semaphore, #tpu.memory_space<semaphore_mem>>) src(%dma_wait3A_172 : memref<16x1024xf32, #tpu.memory_space<hbm>>) dst(%arg8 : memref<16x1024xf32, #tpu.memory_space<vmem>>)
      tpu.yield
    }) : () -> ()
    %dma_start3A_33 = arith.constant 0 : i32
    %dma_start3A_34 = arith.constant 0 : i32
    %dma_start3A_35 = tpu.memref_slice %arg5[%dma_start3A_33, %dma_start3A_34] : memref<5152x1024xf32, #tpu.memory_space<hbm>> -> memref<5152x1024xf32, #tpu.memory_space<hbm>>
    tpu.enqueue_indirect_dma source(%arg8 : memref<16x1024xf32, #tpu.memory_space<vmem>>) target(%dma_start3A_35 : memref<5152x1024xf32, #tpu.memory_space<hbm>>) offsets(%select_n3A_30 : vector<16xi32>) semaphore(%arg9 : memref<!tpu.dma_semaphore, #tpu.memory_space<semaphore_mem>>)
    %dma_wait3A_36 = arith.constant 0 : i32
    %dma_wait3A_37 = arith.constant 0 : i32
    %dma_wait3A_38 = tpu.memref_slice %arg5[%dma_wait3A_36, %dma_wait3A_37] : memref<5152x1024xf32, #tpu.memory_space<hbm>> -> memref<5152x1024xf32, #tpu.memory_space<hbm>>
    tpu.wait_indirect_dma semaphore(%arg9 : memref<!tpu.dma_semaphore, #tpu.memory_space<semaphore_mem>>) src(%arg8 : memref<16x1024xf32, #tpu.memory_space<vmem>>) dst(%dma_wait3A_38 : memref<5152x1024xf32, #tpu.memory_space<hbm>>)
    %get3A_39 = arith.constant 32 : index
    %get3A_40 = tpu.vector_load %arg6[%get3A_39] {strides = array<i32>} : memref<128xi32, #tpu.memory_space<vmem>>, vector<16xi32>,
    %get3A_41 = vector.shape_cast %get3A_40 : vector<16xi32> to vector<16xi32>
    %get3A_42 = arith.constant 32 : index
    %get3A_43 = tpu.vector_load %arg7[%get3A_42] {strides = array<i32>} : memref<128xf32, #tpu.memory_space<vmem>>, vector<16xf32>,
    %get3A_44 = vector.shape_cast %get3A_43 : vector<16xf32> to vector<16xf32>
    %gt3A_45 = arith.constant 0.000000e+00 : f32
    %gt3A_46 = vector.broadcast %gt3A_45 : f32 to vector<16xf32>
    %gt3A_47 = arith.cmpf ogt, %get3A_44, %gt3A_46 : vector<16xf32>
    %add3A_48 = arith.constant 5120 : i32
    %add3A_49 = arith.addi %add3A_48, %add3A : i32
    %broadcast_in_dim3A_50 = vector.broadcast %add3A_49 : i32 to vector<16xi32>
    %select_n3A_51 = arith.select %gt3A_47, %get3A_41, %broadcast_in_dim3A_50 : vector<16xi1>, vector<16xi32>
    %add3A_52 = arith.constant 32 : i32
    %add3A_53 = arith.addi %mul3A_2, %add3A_52 : i32
    "tpu.region"() ({
      %run_scoped3A = tpu.sem_alloc : memref<!tpu.dma_semaphore, #tpu.memory_space<semaphore_mem>>
      %dma_start3A_165 = arith.constant 0 : i32
      %dma_start3A_166 = tpu.memref_slice %arg4[%add3A_53, %dma_start3A_165] : memref<4096x1024xf32, #tpu.memory_space<hbm>> -> memref<16x1024xf32, #tpu.memory_space<hbm>>
      %dma_start3A_167 = arith.constant 0 : i32
      %dma_start3A_168 = tpu.memref_slice %arg4[%add3A_53, %dma_start3A_167] : memref<4096x1024xf32, #tpu.memory_space<hbm>> -> memref<16x1024xf32, #tpu.memory_space<hbm>>
      tpu.enqueue_dma source(%dma_start3A_168 : memref<16x1024xf32, #tpu.memory_space<hbm>>) target(%arg8 : memref<16x1024xf32, #tpu.memory_space<vmem>>) target_semaphore(%run_scoped3A : memref<!tpu.dma_semaphore, #tpu.memory_space<semaphore_mem>>)
      %dma_wait3A_169 = arith.constant 0 : i32
      %dma_wait3A_170 = tpu.memref_slice %arg4[%add3A_53, %dma_wait3A_169] : memref<4096x1024xf32, #tpu.memory_space<hbm>> -> memref<16x1024xf32, #tpu.memory_space<hbm>>
      %dma_wait3A_171 = arith.constant 0 : i32
      %dma_wait3A_172 = tpu.memref_slice %arg4[%add3A_53, %dma_wait3A_171] : memref<4096x1024xf32, #tpu.memory_space<hbm>> -> memref<16x1024xf32, #tpu.memory_space<hbm>>
      tpu.wait_dma2 semaphore(%run_scoped3A : memref<!tpu.dma_semaphore, #tpu.memory_space<semaphore_mem>>) src(%dma_wait3A_172 : memref<16x1024xf32, #tpu.memory_space<hbm>>) dst(%arg8 : memref<16x1024xf32, #tpu.memory_space<vmem>>)
      tpu.yield
    }) : () -> ()
    %dma_start3A_54 = arith.constant 0 : i32
    %dma_start3A_55 = arith.constant 0 : i32
    %dma_start3A_56 = tpu.memref_slice %arg5[%dma_start3A_54, %dma_start3A_55] : memref<5152x1024xf32, #tpu.memory_space<hbm>> -> memref<5152x1024xf32, #tpu.memory_space<hbm>>
    tpu.enqueue_indirect_dma source(%arg8 : memref<16x1024xf32, #tpu.memory_space<vmem>>) target(%dma_start3A_56 : memref<5152x1024xf32, #tpu.memory_space<hbm>>) offsets(%select_n3A_51 : vector<16xi32>) semaphore(%arg9 : memref<!tpu.dma_semaphore, #tpu.memory_space<semaphore_mem>>)
    %dma_wait3A_57 = arith.constant 0 : i32
    %dma_wait3A_58 = arith.constant 0 : i32
    %dma_wait3A_59 = tpu.memref_slice %arg5[%dma_wait3A_57, %dma_wait3A_58] : memref<5152x1024xf32, #tpu.memory_space<hbm>> -> memref<5152x1024xf32, #tpu.memory_space<hbm>>
    tpu.wait_indirect_dma semaphore(%arg9 : memref<!tpu.dma_semaphore, #tpu.memory_space<semaphore_mem>>) src(%arg8 : memref<16x1024xf32, #tpu.memory_space<vmem>>) dst(%dma_wait3A_59 : memref<5152x1024xf32, #tpu.memory_space<hbm>>)
    %get3A_60 = arith.constant 48 : index
    %get3A_61 = tpu.vector_load %arg6[%get3A_60] {strides = array<i32>} : memref<128xi32, #tpu.memory_space<vmem>>, vector<16xi32>,
    %get3A_62 = vector.shape_cast %get3A_61 : vector<16xi32> to vector<16xi32>
    %get3A_63 = arith.constant 48 : index
    %get3A_64 = tpu.vector_load %arg7[%get3A_63] {strides = array<i32>} : memref<128xf32, #tpu.memory_space<vmem>>, vector<16xf32>,
    %get3A_65 = vector.shape_cast %get3A_64 : vector<16xf32> to vector<16xf32>
    %gt3A_66 = arith.constant 0.000000e+00 : f32
    %gt3A_67 = vector.broadcast %gt3A_66 : f32 to vector<16xf32>
    %gt3A_68 = arith.cmpf ogt, %get3A_65, %gt3A_67 : vector<16xf32>
    %add3A_69 = arith.constant 5120 : i32
    %add3A_70 = arith.addi %add3A_69, %add3A : i32
    %broadcast_in_dim3A_71 = vector.broadcast %add3A_70 : i32 to vector<16xi32>
    %select_n3A_72 = arith.select %gt3A_68, %get3A_62, %broadcast_in_dim3A_71 : vector<16xi1>, vector<16xi32>
    %add3A_73 = arith.constant 48 : i32
    %add3A_74 = arith.addi %mul3A_2, %add3A_73 : i32
    "tpu.region"() ({
      %run_scoped3A = tpu.sem_alloc : memref<!tpu.dma_semaphore, #tpu.memory_space<semaphore_mem>>
      %dma_start3A_165 = arith.constant 0 : i32
      %dma_start3A_166 = tpu.memref_slice %arg4[%add3A_74, %dma_start3A_165] : memref<4096x1024xf32, #tpu.memory_space<hbm>> -> memref<16x1024xf32, #tpu.memory_space<hbm>>
      %dma_start3A_167 = arith.constant 0 : i32
      %dma_start3A_168 = tpu.memref_slice %arg4[%add3A_74, %dma_start3A_167] : memref<4096x1024xf32, #tpu.memory_space<hbm>> -> memref<16x1024xf32, #tpu.memory_space<hbm>>
      tpu.enqueue_dma source(%dma_start3A_168 : memref<16x1024xf32, #tpu.memory_space<hbm>>) target(%arg8 : memref<16x1024xf32, #tpu.memory_space<vmem>>) target_semaphore(%run_scoped3A : memref<!tpu.dma_semaphore, #tpu.memory_space<semaphore_mem>>)
      %dma_wait3A_169 = arith.constant 0 : i32
      %dma_wait3A_170 = tpu.memref_slice %arg4[%add3A_74, %dma_wait3A_169] : memref<4096x1024xf32, #tpu.memory_space<hbm>> -> memref<16x1024xf32, #tpu.memory_space<hbm>>
      %dma_wait3A_171 = arith.constant 0 : i32
      %dma_wait3A_172 = tpu.memref_slice %arg4[%add3A_74, %dma_wait3A_171] : memref<4096x1024xf32, #tpu.memory_space<hbm>> -> memref<16x1024xf32, #tpu.memory_space<hbm>>
      tpu.wait_dma2 semaphore(%run_scoped3A : memref<!tpu.dma_semaphore, #tpu.memory_space<semaphore_mem>>) src(%dma_wait3A_172 : memref<16x1024xf32, #tpu.memory_space<hbm>>) dst(%arg8 : memref<16x1024xf32, #tpu.memory_space<vmem>>)
      tpu.yield
    }) : () -> ()
    %dma_start3A_75 = arith.constant 0 : i32
    %dma_start3A_76 = arith.constant 0 : i32
    %dma_start3A_77 = tpu.memref_slice %arg5[%dma_start3A_75, %dma_start3A_76] : memref<5152x1024xf32, #tpu.memory_space<hbm>> -> memref<5152x1024xf32, #tpu.memory_space<hbm>>
    tpu.enqueue_indirect_dma source(%arg8 : memref<16x1024xf32, #tpu.memory_space<vmem>>) target(%dma_start3A_77 : memref<5152x1024xf32, #tpu.memory_space<hbm>>) offsets(%select_n3A_72 : vector<16xi32>) semaphore(%arg9 : memref<!tpu.dma_semaphore, #tpu.memory_space<semaphore_mem>>)
    %dma_wait3A_78 = arith.constant 0 : i32
    %dma_wait3A_79 = arith.constant 0 : i32
    %dma_wait3A_80 = tpu.memref_slice %arg5[%dma_wait3A_78, %dma_wait3A_79] : memref<5152x1024xf32, #tpu.memory_space<hbm>> -> memref<5152x1024xf32, #tpu.memory_space<hbm>>
    tpu.wait_indirect_dma semaphore(%arg9 : memref<!tpu.dma_semaphore, #tpu.memory_space<semaphore_mem>>) src(%arg8 : memref<16x1024xf32, #tpu.memory_space<vmem>>) dst(%dma_wait3A_80 : memref<5152x1024xf32, #tpu.memory_space<hbm>>)
    %get3A_81 = arith.constant 64 : index
    %get3A_82 = tpu.vector_load %arg6[%get3A_81] {strides = array<i32>} : memref<128xi32, #tpu.memory_space<vmem>>, vector<16xi32>,
    %get3A_83 = vector.shape_cast %get3A_82 : vector<16xi32> to vector<16xi32>
    %get3A_84 = arith.constant 64 : index
    %get3A_85 = tpu.vector_load %arg7[%get3A_84] {strides = array<i32>} : memref<128xf32, #tpu.memory_space<vmem>>, vector<16xf32>,
    %get3A_86 = vector.shape_cast %get3A_85 : vector<16xf32> to vector<16xf32>
    %gt3A_87 = arith.constant 0.000000e+00 : f32
    %gt3A_88 = vector.broadcast %gt3A_87 : f32 to vector<16xf32>
    %gt3A_89 = arith.cmpf ogt, %get3A_86, %gt3A_88 : vector<16xf32>
    %add3A_90 = arith.constant 5120 : i32
    %add3A_91 = arith.addi %add3A_90, %add3A : i32
    %broadcast_in_dim3A_92 = vector.broadcast %add3A_91 : i32 to vector<16xi32>
    %select_n3A_93 = arith.select %gt3A_89, %get3A_83, %broadcast_in_dim3A_92 : vector<16xi1>, vector<16xi32>
    %add3A_94 = arith.constant 64 : i32
    %add3A_95 = arith.addi %mul3A_2, %add3A_94 : i32
    "tpu.region"() ({
      %run_scoped3A = tpu.sem_alloc : memref<!tpu.dma_semaphore, #tpu.memory_space<semaphore_mem>>
      %dma_start3A_165 = arith.constant 0 : i32
      %dma_start3A_166 = tpu.memref_slice %arg4[%add3A_95, %dma_start3A_165] : memref<4096x1024xf32, #tpu.memory_space<hbm>> -> memref<16x1024xf32, #tpu.memory_space<hbm>>
      %dma_start3A_167 = arith.constant 0 : i32
      %dma_start3A_168 = tpu.memref_slice %arg4[%add3A_95, %dma_start3A_167] : memref<4096x1024xf32, #tpu.memory_space<hbm>> -> memref<16x1024xf32, #tpu.memory_space<hbm>>
      tpu.enqueue_dma source(%dma_start3A_168 : memref<16x1024xf32, #tpu.memory_space<hbm>>) target(%arg8 : memref<16x1024xf32, #tpu.memory_space<vmem>>) target_semaphore(%run_scoped3A : memref<!tpu.dma_semaphore, #tpu.memory_space<semaphore_mem>>)
      %dma_wait3A_169 = arith.constant 0 : i32
      %dma_wait3A_170 = tpu.memref_slice %arg4[%add3A_95, %dma_wait3A_169] : memref<4096x1024xf32, #tpu.memory_space<hbm>> -> memref<16x1024xf32, #tpu.memory_space<hbm>>
      %dma_wait3A_171 = arith.constant 0 : i32
      %dma_wait3A_172 = tpu.memref_slice %arg4[%add3A_95, %dma_wait3A_171] : memref<4096x1024xf32, #tpu.memory_space<hbm>> -> memref<16x1024xf32, #tpu.memory_space<hbm>>
      tpu.wait_dma2 semaphore(%run_scoped3A : memref<!tpu.dma_semaphore, #tpu.memory_space<semaphore_mem>>) src(%dma_wait3A_172 : memref<16x1024xf32, #tpu.memory_space<hbm>>) dst(%arg8 : memref<16x1024xf32, #tpu.memory_space<vmem>>)
      tpu.yield
    }) : () -> ()
    %dma_start3A_96 = arith.constant 0 : i32
    %dma_start3A_97 = arith.constant 0 : i32
    %dma_start3A_98 = tpu.memref_slice %arg5[%dma_start3A_96, %dma_start3A_97] : memref<5152x1024xf32, #tpu.memory_space<hbm>> -> memref<5152x1024xf32, #tpu.memory_space<hbm>>
    tpu.enqueue_indirect_dma source(%arg8 : memref<16x1024xf32, #tpu.memory_space<vmem>>) target(%dma_start3A_98 : memref<5152x1024xf32, #tpu.memory_space<hbm>>) offsets(%select_n3A_93 : vector<16xi32>) semaphore(%arg9 : memref<!tpu.dma_semaphore, #tpu.memory_space<semaphore_mem>>)
    %dma_wait3A_99 = arith.constant 0 : i32
    %dma_wait3A_100 = arith.constant 0 : i32
    %dma_wait3A_101 = tpu.memref_slice %arg5[%dma_wait3A_99, %dma_wait3A_100] : memref<5152x1024xf32, #tpu.memory_space<hbm>> -> memref<5152x1024xf32, #tpu.memory_space<hbm>>
    tpu.wait_indirect_dma semaphore(%arg9 : memref<!tpu.dma_semaphore, #tpu.memory_space<semaphore_mem>>) src(%arg8 : memref<16x1024xf32, #tpu.memory_space<vmem>>) dst(%dma_wait3A_101 : memref<5152x1024xf32, #tpu.memory_space<hbm>>)
    %get3A_102 = arith.constant 80 : index
    %get3A_103 = tpu.vector_load %arg6[%get3A_102] {strides = array<i32>} : memref<128xi32, #tpu.memory_space<vmem>>, vector<16xi32>,
    %get3A_104 = vector.shape_cast %get3A_103 : vector<16xi32> to vector<16xi32>
    %get3A_105 = arith.constant 80 : index
    %get3A_106 = tpu.vector_load %arg7[%get3A_105] {strides = array<i32>} : memref<128xf32, #tpu.memory_space<vmem>>, vector<16xf32>,
    %get3A_107 = vector.shape_cast %get3A_106 : vector<16xf32> to vector<16xf32>
    %gt3A_108 = arith.constant 0.000000e+00 : f32
    %gt3A_109 = vector.broadcast %gt3A_108 : f32 to vector<16xf32>
    %gt3A_110 = arith.cmpf ogt, %get3A_107, %gt3A_109 : vector<16xf32>
    %add3A_111 = arith.constant 5120 : i32
    %add3A_112 = arith.addi %add3A_111, %add3A : i32
    %broadcast_in_dim3A_113 = vector.broadcast %add3A_112 : i32 to vector<16xi32>
    %select_n3A_114 = arith.select %gt3A_110, %get3A_104, %broadcast_in_dim3A_113 : vector<16xi1>, vector<16xi32>
    %add3A_115 = arith.constant 80 : i32
    %add3A_116 = arith.addi %mul3A_2, %add3A_115 : i32
    "tpu.region"() ({
      %run_scoped3A = tpu.sem_alloc : memref<!tpu.dma_semaphore, #tpu.memory_space<semaphore_mem>>
      %dma_start3A_165 = arith.constant 0 : i32
      %dma_start3A_166 = tpu.memref_slice %arg4[%add3A_116, %dma_start3A_165] : memref<4096x1024xf32, #tpu.memory_space<hbm>> -> memref<16x1024xf32, #tpu.memory_space<hbm>>
      %dma_start3A_167 = arith.constant 0 : i32
      %dma_start3A_168 = tpu.memref_slice %arg4[%add3A_116, %dma_start3A_167] : memref<4096x1024xf32, #tpu.memory_space<hbm>> -> memref<16x1024xf32, #tpu.memory_space<hbm>>
      tpu.enqueue_dma source(%dma_start3A_168 : memref<16x1024xf32, #tpu.memory_space<hbm>>) target(%arg8 : memref<16x1024xf32, #tpu.memory_space<vmem>>) target_semaphore(%run_scoped3A : memref<!tpu.dma_semaphore, #tpu.memory_space<semaphore_mem>>)
      %dma_wait3A_169 = arith.constant 0 : i32
      %dma_wait3A_170 = tpu.memref_slice %arg4[%add3A_116, %dma_wait3A_169] : memref<4096x1024xf32, #tpu.memory_space<hbm>> -> memref<16x1024xf32, #tpu.memory_space<hbm>>
      %dma_wait3A_171 = arith.constant 0 : i32
      %dma_wait3A_172 = tpu.memref_slice %arg4[%add3A_116, %dma_wait3A_171] : memref<4096x1024xf32, #tpu.memory_space<hbm>> -> memref<16x1024xf32, #tpu.memory_space<hbm>>
      tpu.wait_dma2 semaphore(%run_scoped3A : memref<!tpu.dma_semaphore, #tpu.memory_space<semaphore_mem>>) src(%dma_wait3A_172 : memref<16x1024xf32, #tpu.memory_space<hbm>>) dst(%arg8 : memref<16x1024xf32, #tpu.memory_space<vmem>>)
      tpu.yield
    }) : () -> ()
    %dma_start3A_117 = arith.constant 0 : i32
    %dma_start3A_118 = arith.constant 0 : i32
    %dma_start3A_119 = tpu.memref_slice %arg5[%dma_start3A_117, %dma_start3A_118] : memref<5152x1024xf32, #tpu.memory_space<hbm>> -> memref<5152x1024xf32, #tpu.memory_space<hbm>>
    tpu.enqueue_indirect_dma source(%arg8 : memref<16x1024xf32, #tpu.memory_space<vmem>>) target(%dma_start3A_119 : memref<5152x1024xf32, #tpu.memory_space<hbm>>) offsets(%select_n3A_114 : vector<16xi32>) semaphore(%arg9 : memref<!tpu.dma_semaphore, #tpu.memory_space<semaphore_mem>>)
    %dma_wait3A_120 = arith.constant 0 : i32
    %dma_wait3A_121 = arith.constant 0 : i32
    %dma_wait3A_122 = tpu.memref_slice %arg5[%dma_wait3A_120, %dma_wait3A_121] : memref<5152x1024xf32, #tpu.memory_space<hbm>> -> memref<5152x1024xf32, #tpu.memory_space<hbm>>
    tpu.wait_indirect_dma semaphore(%arg9 : memref<!tpu.dma_semaphore, #tpu.memory_space<semaphore_mem>>) src(%arg8 : memref<16x1024xf32, #tpu.memory_space<vmem>>) dst(%dma_wait3A_122 : memref<5152x1024xf32, #tpu.memory_space<hbm>>)
    %get3A_123 = arith.constant 96 : index
    %get3A_124 = tpu.vector_load %arg6[%get3A_123] {strides = array<i32>} : memref<128xi32, #tpu.memory_space<vmem>>, vector<16xi32>,
    %get3A_125 = vector.shape_cast %get3A_124 : vector<16xi32> to vector<16xi32>
    %get3A_126 = arith.constant 96 : index
    %get3A_127 = tpu.vector_load %arg7[%get3A_126] {strides = array<i32>} : memref<128xf32, #tpu.memory_space<vmem>>, vector<16xf32>,
    %get3A_128 = vector.shape_cast %get3A_127 : vector<16xf32> to vector<16xf32>
    %gt3A_129 = arith.constant 0.000000e+00 : f32
    %gt3A_130 = vector.broadcast %gt3A_129 : f32 to vector<16xf32>
    %gt3A_131 = arith.cmpf ogt, %get3A_128, %gt3A_130 : vector<16xf32>
    %add3A_132 = arith.constant 5120 : i32
    %add3A_133 = arith.addi %add3A_132, %add3A : i32
    %broadcast_in_dim3A_134 = vector.broadcast %add3A_133 : i32 to vector<16xi32>
    %select_n3A_135 = arith.select %gt3A_131, %get3A_125, %broadcast_in_dim3A_134 : vector<16xi1>, vector<16xi32>
    %add3A_136 = arith.constant 96 : i32
    %add3A_137 = arith.addi %mul3A_2, %add3A_136 : i32
    "tpu.region"() ({
      %run_scoped3A = tpu.sem_alloc : memref<!tpu.dma_semaphore, #tpu.memory_space<semaphore_mem>>
      %dma_start3A_165 = arith.constant 0 : i32
      %dma_start3A_166 = tpu.memref_slice %arg4[%add3A_137, %dma_start3A_165] : memref<4096x1024xf32, #tpu.memory_space<hbm>> -> memref<16x1024xf32, #tpu.memory_space<hbm>>
      %dma_start3A_167 = arith.constant 0 : i32
      %dma_start3A_168 = tpu.memref_slice %arg4[%add3A_137, %dma_start3A_167] : memref<4096x1024xf32, #tpu.memory_space<hbm>> -> memref<16x1024xf32, #tpu.memory_space<hbm>>
      tpu.enqueue_dma source(%dma_start3A_168 : memref<16x1024xf32, #tpu.memory_space<hbm>>) target(%arg8 : memref<16x1024xf32, #tpu.memory_space<vmem>>) target_semaphore(%run_scoped3A : memref<!tpu.dma_semaphore, #tpu.memory_space<semaphore_mem>>)
      %dma_wait3A_169 = arith.constant 0 : i32
      %dma_wait3A_170 = tpu.memref_slice %arg4[%add3A_137, %dma_wait3A_169] : memref<4096x1024xf32, #tpu.memory_space<hbm>> -> memref<16x1024xf32, #tpu.memory_space<hbm>>
      %dma_wait3A_171 = arith.constant 0 : i32
      %dma_wait3A_172 = tpu.memref_slice %arg4[%add3A_137, %dma_wait3A_171] : memref<4096x1024xf32, #tpu.memory_space<hbm>> -> memref<16x1024xf32, #tpu.memory_space<hbm>>
      tpu.wait_dma2 semaphore(%run_scoped3A : memref<!tpu.dma_semaphore, #tpu.memory_space<semaphore_mem>>) src(%dma_wait3A_172 : memref<16x1024xf32, #tpu.memory_space<hbm>>) dst(%arg8 : memref<16x1024xf32, #tpu.memory_space<vmem>>)
      tpu.yield
    }) : () -> ()
    %dma_start3A_138 = arith.constant 0 : i32
    %dma_start3A_139 = arith.constant 0 : i32
    %dma_start3A_140 = tpu.memref_slice %arg5[%dma_start3A_138, %dma_start3A_139] : memref<5152x1024xf32, #tpu.memory_space<hbm>> -> memref<5152x1024xf32, #tpu.memory_space<hbm>>
    tpu.enqueue_indirect_dma source(%arg8 : memref<16x1024xf32, #tpu.memory_space<vmem>>) target(%dma_start3A_140 : memref<5152x1024xf32, #tpu.memory_space<hbm>>) offsets(%select_n3A_135 : vector<16xi32>) semaphore(%arg9 : memref<!tpu.dma_semaphore, #tpu.memory_space<semaphore_mem>>)
    %dma_wait3A_141 = arith.constant 0 : i32
    %dma_wait3A_142 = arith.constant 0 : i32
    %dma_wait3A_143 = tpu.memref_slice %arg5[%dma_wait3A_141, %dma_wait3A_142] : memref<5152x1024xf32, #tpu.memory_space<hbm>> -> memref<5152x1024xf32, #tpu.memory_space<hbm>>
    tpu.wait_indirect_dma semaphore(%arg9 : memref<!tpu.dma_semaphore, #tpu.memory_space<semaphore_mem>>) src(%arg8 : memref<16x1024xf32, #tpu.memory_space<vmem>>) dst(%dma_wait3A_143 : memref<5152x1024xf32, #tpu.memory_space<hbm>>)
    %get3A_144 = arith.constant 112 : index
    %get3A_145 = tpu.vector_load %arg6[%get3A_144] {strides = array<i32>} : memref<128xi32, #tpu.memory_space<vmem>>, vector<16xi32>,
    %get3A_146 = vector.shape_cast %get3A_145 : vector<16xi32> to vector<16xi32>
    %get3A_147 = arith.constant 112 : index
    %get3A_148 = tpu.vector_load %arg7[%get3A_147] {strides = array<i32>} : memref<128xf32, #tpu.memory_space<vmem>>, vector<16xf32>,
    %get3A_149 = vector.shape_cast %get3A_148 : vector<16xf32> to vector<16xf32>
    %gt3A_150 = arith.constant 0.000000e+00 : f32
    %gt3A_151 = vector.broadcast %gt3A_150 : f32 to vector<16xf32>
    %gt3A_152 = arith.cmpf ogt, %get3A_149, %gt3A_151 : vector<16xf32>
    %add3A_153 = arith.constant 5120 : i32
    %add3A_154 = arith.addi %add3A_153, %add3A : i32
    %broadcast_in_dim3A_155 = vector.broadcast %add3A_154 : i32 to vector<16xi32>
    %select_n3A_156 = arith.select %gt3A_152, %get3A_146, %broadcast_in_dim3A_155 : vector<16xi1>, vector<16xi32>
    %add3A_157 = arith.constant 112 : i32
    %add3A_158 = arith.addi %mul3A_2, %add3A_157 : i32
    "tpu.region"() ({
      %run_scoped3A = tpu.sem_alloc : memref<!tpu.dma_semaphore, #tpu.memory_space<semaphore_mem>>
      %dma_start3A_165 = arith.constant 0 : i32
      %dma_start3A_166 = tpu.memref_slice %arg4[%add3A_158, %dma_start3A_165] : memref<4096x1024xf32, #tpu.memory_space<hbm>> -> memref<16x1024xf32, #tpu.memory_space<hbm>>
      %dma_start3A_167 = arith.constant 0 : i32
      %dma_start3A_168 = tpu.memref_slice %arg4[%add3A_158, %dma_start3A_167] : memref<4096x1024xf32, #tpu.memory_space<hbm>> -> memref<16x1024xf32, #tpu.memory_space<hbm>>
      tpu.enqueue_dma source(%dma_start3A_168 : memref<16x1024xf32, #tpu.memory_space<hbm>>) target(%arg8 : memref<16x1024xf32, #tpu.memory_space<vmem>>) target_semaphore(%run_scoped3A : memref<!tpu.dma_semaphore, #tpu.memory_space<semaphore_mem>>)
      %dma_wait3A_169 = arith.constant 0 : i32
      %dma_wait3A_170 = tpu.memref_slice %arg4[%add3A_158, %dma_wait3A_169] : memref<4096x1024xf32, #tpu.memory_space<hbm>> -> memref<16x1024xf32, #tpu.memory_space<hbm>>
      %dma_wait3A_171 = arith.constant 0 : i32
      %dma_wait3A_172 = tpu.memref_slice %arg4[%add3A_158, %dma_wait3A_171] : memref<4096x1024xf32, #tpu.memory_space<hbm>> -> memref<16x1024xf32, #tpu.memory_space<hbm>>
      tpu.wait_dma2 semaphore(%run_scoped3A : memref<!tpu.dma_semaphore, #tpu.memory_space<semaphore_mem>>) src(%dma_wait3A_172 : memref<16x1024xf32, #tpu.memory_space<hbm>>) dst(%arg8 : memref<16x1024xf32, #tpu.memory_space<vmem>>)
      tpu.yield
    }) : () -> ()
    %dma_start3A_159 = arith.constant 0 : i32
    %dma_start3A_160 = arith.constant 0 : i32
    %dma_start3A_161 = tpu.memref_slice %arg5[%dma_start3A_159, %dma_start3A_160] : memref<5152x1024xf32, #tpu.memory_space<hbm>> -> memref<5152x1024xf32, #tpu.memory_space<hbm>>
    tpu.enqueue_indirect_dma source(%arg8 : memref<16x1024xf32, #tpu.memory_space<vmem>>) target(%dma_start3A_161 : memref<5152x1024xf32, #tpu.memory_space<hbm>>) offsets(%select_n3A_156 : vector<16xi32>) semaphore(%arg9 : memref<!tpu.dma_semaphore, #tpu.memory_space<semaphore_mem>>)
    %dma_wait3A_162 = arith.constant 0 : i32
    %dma_wait3A_163 = arith.constant 0 : i32
    %dma_wait3A_164 = tpu.memref_slice %arg5[%dma_wait3A_162, %dma_wait3A_163] : memref<5152x1024xf32, #tpu.memory_space<hbm>> -> memref<5152x1024xf32, #tpu.memory_space<hbm>>
    tpu.wait_indirect_dma semaphore(%arg9 : memref<!tpu.dma_semaphore, #tpu.memory_space<semaphore_mem>>) src(%arg8 : memref<16x1024xf32, #tpu.memory_space<vmem>>) dst(%dma_wait3A_164 : memref<5152x1024xf32, #tpu.memory_space<hbm>>)
    return
  }
}

module attributes {stable_mosaic.version = 14 : i64} {
  func.func @_gate_body(%arg0: i32, %arg1: memref<512x1024xf32, #tpu.memory_space<vmem>>, %arg2: memref<1024x8xf32, #tpu.memory_space<vmem>>, %arg3: memref<512xi32, #tpu.memory_space<vmem>>, %arg4: memref<512xf32, #tpu.memory_space<vmem>>, %arg5: memref<1x8xf32, #tpu.memory_space<vmem>>, %arg6: memref<512x512xf32, #tpu.memory_space<vmem>>) attributes {dimension_semantics = [#tpu.dimension_semantics<arbitrary>], iteration_bounds = array<i64: 8>, scalar_prefetch = 0 : i64, scratch_operands = 2 : i64, tpu.core_type = #tpu.core_type<tc>, window_params = [{transform_indices = @transform_0, window_bounds = array<i64: 512, 1024>}, {pipeline_mode = #tpu.pipeline_mode<synchronous>, transform_indices = @transform_1, window_bounds = array<i64: 1024, 8>}, {transform_indices = @transform_2, window_bounds = array<i64: 512>}, {transform_indices = @transform_3, window_bounds = array<i64: 512>}]} {
    %get3A = arith.constant 0 : index
    %get3A_0 = arith.constant 0 : index
    %get3A_1 = vector.load %arg1[%get3A, %get3A_0] : memref<512x1024xf32, #tpu.memory_space<vmem>>, vector<512x1024xf32>
    %get3A_2 = arith.constant 0 : index
    %get3A_3 = arith.constant 0 : index
    %get3A_4 = vector.load %arg2[%get3A_2, %get3A_3] : memref<1024x8xf32, #tpu.memory_space<vmem>>, vector<1024x8xf32>
    %dot_general3A = arith.constant dense<0.000000e+00> : vector<512x8xf32>
    %dot_general3A_5 = tpu.matmul %get3A_1, %get3A_4, %dot_general3A {dimension_numbers = #tpu.dot_dimension_numbers<[1], [0], [0], [1], [0, 0, 1, 1], [], []>, transpose_lhs_hint = false} : vector<512x1024xf32>, vector<1024x8xf32>, vector<512x8xf32> -> vector<512x8xf32>
    %reduce_max3A = arith.constant dense<0xFF800000> : vector<512xf32>
    %reduce_max3A_6 = vector.multi_reduction <maximumf>, %dot_general3A_5, %reduce_max3A [1] : vector<512x8xf32> to vector<512xf32>
    %broadcast_in_dim3A = vector.shape_cast %reduce_max3A_6 : vector<512xf32> to vector<512x1xf32>
    %sub3A = vector.broadcast %broadcast_in_dim3A : vector<512x1xf32> to vector<512x8xf32>
    %sub3A_7 = arith.subf %dot_general3A_5, %sub3A : vector<512x8xf32>
    %exp3A = math.exp %sub3A_7 : vector<512x8xf32>
    %reduce_sum3A = arith.constant dense<0.000000e+00> : vector<512xf32>
    %reduce_sum3A_8 = vector.multi_reduction <add>, %exp3A, %reduce_sum3A [1] : vector<512x8xf32> to vector<512xf32>
    %broadcast_in_dim3A_9 = vector.shape_cast %reduce_sum3A_8 : vector<512xf32> to vector<512x1xf32>
    %div3A = arith.constant 1.000000e+00 : f32
    %div3A_10 = vector.broadcast %div3A : f32 to vector<512x1xf32>
    %div3A_11 = arith.divf %div3A_10, %broadcast_in_dim3A_9 : vector<512x1xf32>
    %iota3A = tpu.iota {dimensions = array<i32: 1>} : vector<512x8xi32>
    %ge3A = vector.broadcast %broadcast_in_dim3A : vector<512x1xf32> to vector<512x8xf32>
    %ge3A_12 = arith.cmpf oge, %dot_general3A_5, %ge3A : vector<512x8xf32>
    %jit3A = arith.constant 8 : i32
    %broadcast_in_dim3A_13 = vector.broadcast %jit3A : i32 to vector<512x8xi32>
    %select_n3A = arith.select %ge3A_12, %iota3A, %broadcast_in_dim3A_13 : vector<512x8xi1>, vector<512x8xi32>
    %reduce_min3A = arith.constant dense<2147483647> : vector<512xi32>
    %reduce_min3A_14 = vector.multi_reduction <minsi>, %select_n3A, %reduce_min3A [1] : vector<512x8xi32> to vector<512xi32>
    %broadcast_in_dim3A_15 = vector.shape_cast %reduce_min3A_14 : vector<512xi32> to vector<512x1xi32>
    %eq3A = arith.constant 0 : i32
    %eq3A_16 = arith.cmpi eq, %arg0, %eq3A : i32
    %convert_element_type3A = arith.extui %eq3A_16 : i1 to i32
    %cond3A = arith.constant 0 : i32
    %cond3A_17 = arith.cmpi ne, %convert_element_type3A, %cond3A : i32
    scf.if %cond3A_17 {
      %broadcast_in_dim3A_56 = arith.constant 0.000000e+00 : f32
      %broadcast_in_dim3A_57 = vector.broadcast %broadcast_in_dim3A_56 : f32 to vector<1x8xf32>
      %swap3A_58 = arith.constant 0 : index
      %swap3A_59 = arith.constant 0 : index
      %swap3A_60 = vector.load %arg5[%swap3A_58, %swap3A_59] : memref<1x8xf32, #tpu.memory_space<vmem>>, vector<1x8xf32>
      tpu.vector_store %arg5[%swap3A_58, %swap3A_59], %broadcast_in_dim3A_57 {strides = array<i32>} : memref<1x8xf32, #tpu.memory_space<vmem>>, vector<1x8xf32>,
      %iota3A_61 = tpu.iota {dimensions = array<i32: 0>} : vector<512x512xi32>
      %iota3A_62 = tpu.iota {dimensions = array<i32: 1>} : vector<512x512xi32>
      %ge3A_63 = arith.cmpi sge, %iota3A_61, %iota3A_62 : vector<512x512xi32>
      %convert_element_type3A_64 = arith.extui %ge3A_63 : vector<512x512xi1> to vector<512x512xi32>
      %convert_element_type3A_65 = arith.sitofp %convert_element_type3A_64 : vector<512x512xi32> to vector<512x512xf32>
      %swap3A_66 = arith.constant 0 : index
      %swap3A_67 = arith.constant 0 : index
      %swap3A_68 = vector.load %arg6[%swap3A_66, %swap3A_67] : memref<512x512xf32, #tpu.memory_space<vmem>>, vector<512x512xf32>
      tpu.vector_store %arg6[%swap3A_66, %swap3A_67], %convert_element_type3A_65 {strides = array<i32>} : memref<512x512xf32, #tpu.memory_space<vmem>>, vector<512x512xf32>,
    } else {
    }
    %eq3A_18 = vector.broadcast %broadcast_in_dim3A_15 : vector<512x1xi32> to vector<512x8xi32>
    %eq3A_19 = arith.cmpi eq, %iota3A, %eq3A_18 : vector<512x8xi32>
    %convert_element_type3A_20 = arith.extui %eq3A_19 : vector<512x8xi1> to vector<512x8xi32>
    %convert_element_type3A_21 = arith.sitofp %convert_element_type3A_20 : vector<512x8xi32> to vector<512x8xf32>
    %get3A_22 = arith.constant 0 : index
    %get3A_23 = arith.constant 0 : index
    %get3A_24 = vector.load %arg6[%get3A_22, %get3A_23] : memref<512x512xf32, #tpu.memory_space<vmem>>, vector<512x512xf32>
    %dot_general3A_25 = arith.constant dense<0.000000e+00> : vector<512x8xf32>
    %dot_general3A_26 = tpu.matmul %get3A_24, %convert_element_type3A_21, %dot_general3A_25 {dimension_numbers = #tpu.dot_dimension_numbers<[1], [0], [0], [1], [0, 0, 1, 1], [], []>, transpose_lhs_hint = false} : vector<512x512xf32>, vector<512x8xf32>, vector<512x8xf32> -> vector<512x8xf32>
    %get3A_27 = arith.constant 0 : index
    %get3A_28 = arith.constant 0 : index
    %get3A_29 = vector.load %arg5[%get3A_27, %get3A_28] : memref<1x8xf32, #tpu.memory_space<vmem>>, vector<1x8xf32>
    %add3A = vector.broadcast %get3A_29 : vector<1x8xf32> to vector<512x8xf32>
    %add3A_30 = arith.addf %dot_general3A_26, %add3A : vector<512x8xf32>
    %slice3A = vector.extract_strided_slice %add3A_30 {offsets = [511, 0], sizes = [1, 8], strides = [1, 1]} : vector<512x8xf32> to vector<1x8xf32>
    %swap3A = arith.constant 0 : index
    %swap3A_31 = arith.constant 0 : index
    %swap3A_32 = vector.load %arg5[%swap3A, %swap3A_31] : memref<1x8xf32, #tpu.memory_space<vmem>>, vector<1x8xf32>
    tpu.vector_store %arg5[%swap3A, %swap3A_31], %slice3A {strides = array<i32>} : memref<1x8xf32, #tpu.memory_space<vmem>>, vector<1x8xf32>,
    %mul3A = arith.mulf %convert_element_type3A_21, %add3A_30 : vector<512x8xf32>
    %reduce_sum3A_33 = arith.constant dense<0.000000e+00> : vector<512xf32>
    %reduce_sum3A_34 = vector.multi_reduction <add>, %mul3A, %reduce_sum3A_33 [1] : vector<512x8xf32> to vector<512xf32>
    %broadcast_in_dim3A_35 = vector.shape_cast %reduce_sum3A_34 : vector<512xf32> to vector<512x1xf32>
    %convert_element_type3A_36 = arith.fptosi %broadcast_in_dim3A_35 : vector<512x1xf32> to vector<512x1xi32>
    %sub3A_37 = arith.constant 1 : i32
    %sub3A_38 = vector.broadcast %sub3A_37 : i32 to vector<512x1xi32>
    %sub3A_39 = arith.subi %convert_element_type3A_36, %sub3A_38 : vector<512x1xi32>
    %lt3A = arith.constant 640 : i32
    %lt3A_40 = vector.broadcast %lt3A : i32 to vector<512x1xi32>
    %lt3A_41 = arith.cmpi slt, %sub3A_39, %lt3A_40 : vector<512x1xi32>
    %mul3A_42 = arith.constant 640 : i32
    %mul3A_43 = vector.broadcast %mul3A_42 : i32 to vector<512x1xi32>
    %mul3A_44 = arith.muli %broadcast_in_dim3A_15, %mul3A_43 : vector<512x1xi32>
    %min3A = arith.constant 639 : i32
    %min3A_45 = vector.broadcast %min3A : i32 to vector<512x1xi32>
    %min3A_46 = arith.minsi %sub3A_39, %min3A_45 : vector<512x1xi32>
    %add3A_47 = arith.addi %mul3A_44, %min3A_46 : vector<512x1xi32>
    %reshape3A = vector.shape_cast %add3A_47 : vector<512x1xi32> to vector<512xi32>
    %swap3A_48 = arith.constant 0 : index
    %swap3A_49 = vector.load %arg3[%swap3A_48] : memref<512xi32, #tpu.memory_space<vmem>>, vector<512xi32>
    tpu.vector_store %arg3[%swap3A_48], %reshape3A {strides = array<i32>} : memref<512xi32, #tpu.memory_space<vmem>>, vector<512xi32>,
    %jit3A_50 = arith.constant 0.000000e+00 : f32
    %broadcast_in_dim3A_51 = vector.broadcast %jit3A_50 : f32 to vector<512x1xf32>
    %select_n3A_52 = arith.select %lt3A_41, %div3A_11, %broadcast_in_dim3A_51 : vector<512x1xi1>, vector<512x1xf32>
    %reshape3A_53 = vector.shape_cast %select_n3A_52 : vector<512x1xf32> to vector<512xf32>
    %swap3A_54 = arith.constant 0 : index
    %swap3A_55 = vector.load %arg4[%swap3A_54] : memref<512xf32, #tpu.memory_space<vmem>>, vector<512xf32>
    tpu.vector_store %arg4[%swap3A_54], %reshape3A_53 {strides = array<i32>} : memref<512xf32, #tpu.memory_space<vmem>>, vector<512xf32>,
    return
  }
  func.func @transform_0(%arg0: i32) -> (i32, i32) {
    %c0_i32 = arith.constant 0 : i32
    %c0_i32_0 = arith.constant 0 : i32
    return %arg0, %c0_i32 : i32, i32
  }
  func.func @transform_1(%arg0: i32) -> (i32, i32) {
    %c0_i32 = arith.constant 0 : i32
    %c0_i32_0 = arith.constant 0 : i32
    %c0_i32_1 = arith.constant 0 : i32
    return %c0_i32, %c0_i32_0 : i32, i32
  }
  func.func @transform_2(%arg0: i32) -> i32 {
    %c0_i32 = arith.constant 0 : i32
    return %arg0 : i32
  }
  func.func @transform_3(%arg0: i32) -> i32 {
    %c0_i32 = arith.constant 0 : i32
    return %arg0 : i32
  }
}

module attributes {stable_mosaic.version = 14 : i64} {
  func.func @_w2sum_body(%arg0: i32, %arg1: i32, %arg2: memref<1x512x512xf32, #tpu.memory_space<vmem>>, %arg3: memref<1x512x512xf32, #tpu.memory_space<vmem>>, %arg4: memref<1x512x1xf32, #tpu.memory_space<vmem>>) attributes {dimension_semantics = [#tpu.dimension_semantics<arbitrary>, #tpu.dimension_semantics<arbitrary>], iteration_bounds = array<i64: 8, 4>, scalar_prefetch = 0 : i64, scratch_operands = 0 : i64, tpu.core_type = #tpu.core_type<tc>, window_params = [{transform_indices = @transform_0, window_bounds = array<i64: 1, 512, 512>}, {transform_indices = @transform_1, window_bounds = array<i64: 1, 512, 512>}, {transform_indices = @transform_2, window_bounds = array<i64: 1, 512, 1>}]} {
    %get3A = arith.constant 0 : index
    %get3A_0 = arith.constant 0 : index
    %get3A_1 = arith.constant 0 : index
    %get3A_2 = vector.load %arg2[%get3A, %get3A_0, %get3A_1] : memref<1x512x512xf32, #tpu.memory_space<vmem>>, vector<1x512x512xf32>
    %get3A_3 = vector.shape_cast %get3A_2 : vector<1x512x512xf32> to vector<512x512xf32>
    %reduce_sum3A = arith.constant dense<0.000000e+00> : vector<512xf32>
    %reduce_sum3A_4 = vector.multi_reduction <add>, %get3A_3, %reduce_sum3A [1] : vector<512x512xf32> to vector<512xf32>
    %broadcast_in_dim3A = vector.shape_cast %reduce_sum3A_4 : vector<512xf32> to vector<512x1xf32>
    %get3A_5 = arith.constant 0 : index
    %get3A_6 = arith.constant 0 : index
    %get3A_7 = arith.constant 0 : index
    %get3A_8 = vector.load %arg3[%get3A_5, %get3A_6, %get3A_7] : memref<1x512x512xf32, #tpu.memory_space<vmem>>, vector<1x512x512xf32>
    %get3A_9 = vector.shape_cast %get3A_8 : vector<1x512x512xf32> to vector<512x512xf32>
    %reduce_sum3A_10 = arith.constant dense<0.000000e+00> : vector<512xf32>
    %reduce_sum3A_11 = vector.multi_reduction <add>, %get3A_9, %reduce_sum3A_10 [1] : vector<512x512xf32> to vector<512xf32>
    %broadcast_in_dim3A_12 = vector.shape_cast %reduce_sum3A_11 : vector<512xf32> to vector<512x1xf32>
    %add3A = arith.addf %broadcast_in_dim3A, %broadcast_in_dim3A_12 : vector<512x1xf32>
    %swap3A = arith.constant 0 : index
    %swap3A_13 = arith.constant 0 : index
    %swap3A_14 = arith.constant 0 : index
    %swap3A_15 = vector.load %arg4[%swap3A, %swap3A_13, %swap3A_14] : memref<1x512x1xf32, #tpu.memory_space<vmem>>, vector<1x512x1xf32>
    %swap3A_16 = vector.shape_cast %swap3A_15 : vector<1x512x1xf32> to vector<512x1xf32>
    %swap3A_17 = vector.shape_cast %add3A : vector<512x1xf32> to vector<1x512x1xf32>
    tpu.vector_store %arg4[%swap3A, %swap3A_13, %swap3A_14], %swap3A_17 {strides = array<i32>} : memref<1x512x1xf32, #tpu.memory_space<vmem>>, vector<1x512x1xf32>,
    return
  }
  func.func @transform_0(%arg0: i32, %arg1: i32) -> (i32, i32, i32) {
    %c0_i32 = arith.constant 0 : i32
    %c0_i32_0 = arith.constant 0 : i32
    return %arg0, %arg1, %c0_i32 : i32, i32, i32
  }
  func.func @transform_1(%arg0: i32, %arg1: i32) -> (i32, i32, i32) {
    %c1_i32 = arith.constant 1 : i32
    %c0_i32 = arith.constant 0 : i32
    return %arg0, %arg1, %c1_i32 : i32, i32, i32
  }
  func.func @transform_2(%arg0: i32, %arg1: i32) -> (i32, i32, i32) {
    %c0_i32 = arith.constant 0 : i32
    %c0_i32_0 = arith.constant 0 : i32
    return %arg0, %arg1, %c0_i32 : i32, i32, i32
  }
}

module attributes {stable_mosaic.version = 14 : i64} {
  func.func @_ffn_body(%arg0: i32, %arg1: i32, %arg2: memref<640x1024xf32, #tpu.memory_space<vmem>>, %arg3: memref<1x512x1024xf32, #tpu.memory_space<vmem>>, %arg4: memref<1x512x1024xf32, #tpu.memory_space<vmem>>, %arg5: memref<1x1x1024xf32, #tpu.memory_space<vmem>>, %arg6: memref<1x1024x1xf32, #tpu.memory_space<vmem>>, %arg7: memref<1x1x1024xf32, #tpu.memory_space<vmem>>, %arg8: memref<5120xf32, #tpu.memory_space<vmem>>, %arg9: memref<640x1xf32, #tpu.memory_space<vmem>>, %arg10: memref<640x1024xbf16, #tpu.memory_space<vmem>>) attributes {dimension_semantics = [#tpu.dimension_semantics<arbitrary>, #tpu.dimension_semantics<arbitrary>], iteration_bounds = array<i64: 8, 2>, scalar_prefetch = 0 : i64, scratch_operands = 2 : i64, tpu.core_type = #tpu.core_type<tc>, window_params = [{transform_indices = @transform_0, window_bounds = array<i64: 640, 1024>}, {transform_indices = @transform_1, window_bounds = array<i64: 1, 512, 1024>}, {transform_indices = @transform_2, window_bounds = array<i64: 1, 512, 1024>}, {transform_indices = @transform_3, window_bounds = array<i64: 1, 1, 1024>}, {transform_indices = @transform_4, window_bounds = array<i64: 1, 1024, 1>}, {transform_indices = @transform_5, window_bounds = array<i64: 1, 1, 1024>}, {pipeline_mode = #tpu.pipeline_mode<synchronous>, transform_indices = @transform_6, window_bounds = array<i64: 5120>}]} {
    %eq3A = arith.constant 0 : i32
    %eq3A_0 = arith.cmpi eq, %arg1, %eq3A : i32
    %convert_element_type3A = arith.extui %eq3A_0 : i1 to i32
    %cond3A = arith.constant 0 : i32
    %cond3A_1 = arith.cmpi ne, %convert_element_type3A, %cond3A : i32
    scf.if %cond3A_1 {
      %get3A_52 = arith.constant 0 : index
      %get3A_53 = arith.constant 0 : index
      %get3A_54 = vector.load %arg2[%get3A_52, %get3A_53] : memref<640x1024xf32, #tpu.memory_space<vmem>>, vector<640x1024xf32>
      %convert_element_type3A_55 = arith.truncf %get3A_54 : vector<640x1024xf32> to vector<640x1024xbf16>
      %swap3A = arith.constant 0 : index
      %swap3A_56 = arith.constant 0 : index
      %swap3A_57 = vector.load %arg10[%swap3A, %swap3A_56] : memref<640x1024xbf16, #tpu.memory_space<vmem>>, vector<640x1024xbf16>
      tpu.vector_store %arg10[%swap3A, %swap3A_56], %convert_element_type3A_55 {strides = array<i32>} : memref<640x1024xbf16, #tpu.memory_space<vmem>>, vector<640x1024xbf16>,
    } else {
    }
    %get3A = arith.constant 0 : index
    %get3A_2 = arith.constant 0 : index
    %get3A_3 = arith.constant 0 : index
    %get3A_4 = vector.load %arg3[%get3A, %get3A_2, %get3A_3] : memref<1x512x1024xf32, #tpu.memory_space<vmem>>, vector<1x512x1024xf32>
    %get3A_5 = vector.shape_cast %get3A_4 : vector<1x512x1024xf32> to vector<512x1024xf32>
    %convert_element_type3A_6 = arith.truncf %get3A_5 : vector<512x1024xf32> to vector<512x1024xbf16>
    %get3A_7 = arith.constant 0 : index
    %get3A_8 = arith.constant 0 : index
    %get3A_9 = arith.constant 0 : index
    %get3A_10 = vector.load %arg4[%get3A_7, %get3A_8, %get3A_9] : memref<1x512x1024xf32, #tpu.memory_space<vmem>>, vector<1x512x1024xf32>
    %get3A_11 = vector.shape_cast %get3A_10 : vector<1x512x1024xf32> to vector<512x1024xf32>
    %convert_element_type3A_12 = arith.truncf %get3A_11 : vector<512x1024xf32> to vector<512x1024xbf16>
    %get3A_13 = arith.constant 0 : index
    %get3A_14 = arith.constant 0 : index
    %get3A_15 = vector.load %arg10[%get3A_13, %get3A_14] : memref<640x1024xbf16, #tpu.memory_space<vmem>>, vector<640x512xbf16>
    %dot_general3A = arith.constant dense<0.000000e+00> : vector<640x1024xf32>
    %dot_general3A_16 = tpu.matmul %get3A_15, %convert_element_type3A_6, %dot_general3A {dimension_numbers = #tpu.dot_dimension_numbers<[1], [0], [0], [1], [0, 0, 1, 1], [], []>, transpose_lhs_hint = false} : vector<640x512xbf16>, vector<512x1024xbf16>, vector<640x1024xf32> -> vector<640x1024xf32>
    %get3A_17 = arith.constant 0 : index
    %get3A_18 = arith.constant 512 : index
    %get3A_19 = vector.load %arg10[%get3A_17, %get3A_18] : memref<640x1024xbf16, #tpu.memory_space<vmem>>, vector<640x512xbf16>
    %dot_general3A_20 = arith.constant dense<0.000000e+00> : vector<640x1024xf32>
    %dot_general3A_21 = tpu.matmul %get3A_19, %convert_element_type3A_12, %dot_general3A_20 {dimension_numbers = #tpu.dot_dimension_numbers<[1], [0], [0], [1], [0, 0, 1, 1], [], []>, transpose_lhs_hint = false} : vector<640x512xbf16>, vector<512x1024xbf16>, vector<640x1024xf32> -> vector<640x1024xf32>
    %add3A = arith.addf %dot_general3A_16, %dot_general3A_21 : vector<640x1024xf32>
    %get3A_22 = arith.constant 0 : index
    %get3A_23 = arith.constant 0 : index
    %get3A_24 = arith.constant 0 : index
    %get3A_25 = vector.load %arg5[%get3A_22, %get3A_23, %get3A_24] : memref<1x1x1024xf32, #tpu.memory_space<vmem>>, vector<1x1x1024xf32>
    %get3A_26 = vector.shape_cast %get3A_25 : vector<1x1x1024xf32> to vector<1x1024xf32>
    %add3A_27 = vector.broadcast %get3A_26 : vector<1x1024xf32> to vector<640x1024xf32>
    %add3A_28 = arith.addf %add3A, %add3A_27 : vector<640x1024xf32>
    %max3A = arith.constant 0.000000e+00 : f32
    %max3A_29 = vector.broadcast %max3A : f32 to vector<640x1024xf32>
    %max3A_30 = arith.maximumf %add3A_28, %max3A_29 : vector<640x1024xf32>
    %get3A_31 = arith.constant 0 : index
    %get3A_32 = arith.constant 0 : index
    %get3A_33 = arith.constant 0 : index
    %get3A_34 = vector.load %arg6[%get3A_31, %get3A_32, %get3A_33] : memref<1x1024x1xf32, #tpu.memory_space<vmem>>, vector<1x1024x1xf32>
    %get3A_35 = vector.shape_cast %get3A_34 : vector<1x1024x1xf32> to vector<1024x1xf32>
    %dot_general3A_36 = arith.constant dense<0.000000e+00> : vector<640x1xf32>
    %dot_general3A_37 = tpu.matmul %max3A_30, %get3A_35, %dot_general3A_36 {dimension_numbers = #tpu.dot_dimension_numbers<[1], [0], [0], [1], [0, 0, 1, 1], [], []>, transpose_lhs_hint = false} : vector<640x1024xf32>, vector<1024x1xf32>, vector<640x1xf32> -> vector<640x1xf32>
    %eq3A_38 = arith.constant 0 : i32
    %eq3A_39 = arith.cmpi eq, %arg1, %eq3A_38 : i32
    %convert_element_type3A_40 = arith.extui %eq3A_39 : i1 to i32
    %cond3A_41 = arith.constant 0 : i32
    %cond3A_42 = arith.cmpi ne, %convert_element_type3A_40, %cond3A_41 : i32
    scf.if %cond3A_42 {
      %get3A_52 = arith.constant 0 : index
      %get3A_53 = arith.constant 0 : index
      %get3A_54 = arith.constant 0 : index
      %get3A_55 = vector.load %arg7[%get3A_52, %get3A_53, %get3A_54] : memref<1x1x1024xf32, #tpu.memory_space<vmem>>, vector<1x1x1024xf32>
      %get3A_56 = vector.shape_cast %get3A_55 : vector<1x1x1024xf32> to vector<1x1024xf32>
      %reduce_sum3A = vector.shape_cast %get3A_56 : vector<1x1024xf32> to vector<1x1x1024xf32>
      %reduce_sum3A_57 = arith.constant dense<0.000000e+00> : vector<1xf32>
      %reduce_sum3A_58 = vector.multi_reduction <add>, %reduce_sum3A, %reduce_sum3A_57 [1, 2] : vector<1x1x1024xf32> to vector<1xf32>
      %reduce_sum3A_59 = vector.shape_cast %reduce_sum3A_58 : vector<1xf32> to vector<1x1x1xf32>
      %reduce_sum3A_60 = vector.extract %reduce_sum3A_59[0, 0, 0] : f32 from vector<1x1x1xf32>
      %add3A_61 = vector.broadcast %reduce_sum3A_60 : f32 to vector<640x1xf32>
      %add3A_62 = arith.addf %dot_general3A_37, %add3A_61 : vector<640x1xf32>
      %swap3A = arith.constant 0 : index
      %swap3A_63 = arith.constant 0 : index
      %swap3A_64 = vector.load %arg9[%swap3A, %swap3A_63] : memref<640x1xf32, #tpu.memory_space<vmem>>, vector<640x1xf32>
      tpu.vector_store %arg9[%swap3A, %swap3A_63], %add3A_62 {strides = array<i32>} : memref<640x1xf32, #tpu.memory_space<vmem>>, vector<640x1xf32>,
    } else {
    }
    %ne3A = arith.constant 0 : i32
    %ne3A_43 = arith.cmpi ne, %arg1, %ne3A : i32
    %convert_element_type3A_44 = arith.extui %ne3A_43 : i1 to i32
    %cond3A_45 = arith.constant 0 : i32
    %cond3A_46 = arith.cmpi ne, %convert_element_type3A_44, %cond3A_45 : i32
    scf.if %cond3A_46 {
      %get3A_52 = arith.constant 0 : index
      %get3A_53 = arith.constant 0 : index
      %get3A_54 = vector.load %arg9[%get3A_52, %get3A_53] : memref<640x1xf32, #tpu.memory_space<vmem>>, vector<640x1xf32>
      %add3A_55 = arith.addf %get3A_54, %dot_general3A_37 : vector<640x1xf32>
      %swap3A = arith.constant 0 : index
      %swap3A_56 = arith.constant 0 : index
      %swap3A_57 = vector.load %arg9[%swap3A, %swap3A_56] : memref<640x1xf32, #tpu.memory_space<vmem>>, vector<640x1xf32>
      tpu.vector_store %arg9[%swap3A, %swap3A_56], %add3A_55 {strides = array<i32>} : memref<640x1xf32, #tpu.memory_space<vmem>>, vector<640x1xf32>,
    } else {
    }
    %eq3A_47 = arith.constant 1 : i32
    %eq3A_48 = arith.cmpi eq, %arg1, %eq3A_47 : i32
    %convert_element_type3A_49 = arith.extui %eq3A_48 : i1 to i32
    %cond3A_50 = arith.constant 0 : i32
    %cond3A_51 = arith.cmpi ne, %convert_element_type3A_49, %cond3A_50 : i32
    scf.if %cond3A_51 {
      %get3A_52 = arith.constant 0 : index
      %get3A_53 = arith.constant 0 : index
      %get3A_54 = vector.load %arg9[%get3A_52, %get3A_53] : memref<640x1xf32, #tpu.memory_space<vmem>>, vector<640x1xf32>
      %reshape3A = vector.shape_cast %get3A_54 : vector<640x1xf32> to vector<640xf32>
      %mul3A = arith.constant 640 : i32
      %mul3A_55 = arith.muli %arg0, %mul3A : i32
      %swap3A = arith.index_cast %mul3A_55 : i32 to index
      %swap3A_56 = vector.load %arg8[%swap3A] : memref<5120xf32, #tpu.memory_space<vmem>>, vector<640xf32>
      tpu.vector_store %arg8[%swap3A], %reshape3A {strides = array<i32>} : memref<5120xf32, #tpu.memory_space<vmem>>, vector<640xf32>,
    } else {
    }
    return
  }
  func.func @transform_0(%arg0: i32, %arg1: i32) -> (i32, i32) {
    %c0_i32 = arith.constant 0 : i32
    %c0_i32_0 = arith.constant 0 : i32
    return %arg0, %c0_i32 : i32, i32
  }
  func.func @transform_1(%arg0: i32, %arg1: i32) -> (i32, i32, i32) {
    %c0_i32 = arith.constant 0 : i32
    %c0_i32_0 = arith.constant 0 : i32
    return %arg0, %c0_i32, %arg1 : i32, i32, i32
  }
  func.func @transform_2(%arg0: i32, %arg1: i32) -> (i32, i32, i32) {
    %c1_i32 = arith.constant 1 : i32
    %c0_i32 = arith.constant 0 : i32
    return %arg0, %c1_i32, %arg1 : i32, i32, i32
  }
  func.func @transform_3(%arg0: i32, %arg1: i32) -> (i32, i32, i32) {
    %c0_i32 = arith.constant 0 : i32
    %c0_i32_0 = arith.constant 0 : i32
    return %arg0, %c0_i32, %arg1 : i32, i32, i32
  }
  func.func @transform_4(%arg0: i32, %arg1: i32) -> (i32, i32, i32) {
    %c0_i32 = arith.constant 0 : i32
    %c0_i32_0 = arith.constant 0 : i32
    return %arg0, %arg1, %c0_i32 : i32, i32, i32
  }
  func.func @transform_5(%arg0: i32, %arg1: i32) -> (i32, i32, i32) {
    %c0_i32 = arith.constant 0 : i32
    %c0_i32_0 = arith.constant 0 : i32
    %c0_i32_1 = arith.constant 0 : i32
    return %arg0, %c0_i32, %c0_i32_0 : i32, i32, i32
  }
  func.func @transform_6(%arg0: i32, %arg1: i32) -> i32 {
    %c0_i32 = arith.constant 0 : i32
    %c0_i32_0 = arith.constant 0 : i32
    return %c0_i32 : i32
  }
}

module attributes {stable_mosaic.version = 14 : i64} {
  func.func @_lsm_body(%arg0: memref<2x2048xf32, #tpu.memory_space<vmem>>, %arg1: memref<2x2048xf32, #tpu.memory_space<vmem>>) attributes {dimension_semantics = [], scalar_prefetch = 0 : i64, scratch_operands = 0 : i64, tpu.core_type = #tpu.core_type<tc>} {
    %get3A = arith.constant 0 : index
    %get3A_0 = arith.constant 0 : index
    %get3A_1 = vector.load %arg0[%get3A, %get3A_0] : memref<2x2048xf32, #tpu.memory_space<vmem>>, vector<2x2048xf32>
    %reduce_max3A = arith.constant dense<0xFF800000> : vector<2xf32>
    %reduce_max3A_2 = vector.multi_reduction <maximumf>, %get3A_1, %reduce_max3A [1] : vector<2x2048xf32> to vector<2xf32>
    %broadcast_in_dim3A = vector.shape_cast %reduce_max3A_2 : vector<2xf32> to vector<2x1xf32>
    %sub3A = vector.broadcast %broadcast_in_dim3A : vector<2x1xf32> to vector<2x2048xf32>
    %sub3A_3 = arith.subf %get3A_1, %sub3A : vector<2x2048xf32>
    %sub3A_4 = vector.broadcast %broadcast_in_dim3A : vector<2x1xf32> to vector<2x2048xf32>
    %sub3A_5 = arith.subf %get3A_1, %sub3A_4 : vector<2x2048xf32>
    %exp3A = math.exp %sub3A_5 : vector<2x2048xf32>
    %reduce_sum3A = arith.constant dense<0.000000e+00> : vector<2xf32>
    %reduce_sum3A_6 = vector.multi_reduction <add>, %exp3A, %reduce_sum3A [1] : vector<2x2048xf32> to vector<2xf32>
    %broadcast_in_dim3A_7 = vector.shape_cast %reduce_sum3A_6 : vector<2xf32> to vector<2x1xf32>
    %log3A = math.log %broadcast_in_dim3A_7 : vector<2x1xf32>
    %sub3A_8 = vector.broadcast %log3A : vector<2x1xf32> to vector<2x2048xf32>
    %sub3A_9 = arith.subf %sub3A_3, %sub3A_8 : vector<2x2048xf32>
    %swap3A = arith.constant 0 : index
    %swap3A_10 = arith.constant 0 : index
    %swap3A_11 = vector.load %arg1[%swap3A, %swap3A_10] : memref<2x2048xf32, #tpu.memory_space<vmem>>, vector<2x2048xf32>
    tpu.vector_store %arg1[%swap3A, %swap3A_10], %sub3A_9 {strides = array<i32>} : memref<2x2048xf32, #tpu.memory_space<vmem>>, vector<2x2048xf32>,
    return
  }
}

</mosaic_0001>

<sc_bundles>
// kernel: kernel.11.cloned.1.call-start
scs
__scs_entry_jumppad:
0x0: {  	(pc) =	sbr.rel $0x88, $3  }
0x1: {  	(tag) =	ssettag $0x0;
	lr =	simm.s32 $0x1  }
0x2: {  	[smem:$0x3F9B] =	sst lr;
	_ =	strace $0xD0000000  }
0x3: {  	_ = 	snop  }
0x4: {  	_ = 	snop  }
0x5: {  	_ = 	snop  }
0x6: {  	_ = 	snop  }
0x7: {  	_ = 	snop  }
__scs_overlays_trampoline_lowered:
0x8: {  	[smem:$0x3FAA] =	sst s0  }
0x9: {  	[smem:$0x3FAB] =	sst s1  }
0xa: {  	[smem:$0x3FAC] =	sst s2  }
0xb: {  	[smem:$0x3FAD] =	sst s3  }
0xc: {  	[smem:$0x3FAE] =	sst s4  }
0xd: {  	[smem:$0x3FAF] =	sst s5  }
0xe: {  	[smem:$0x3FB0] =	sst s6  }
0xf: {  	[smem:$0x3FB1] =	sst s7  }
0x10: {  	[smem:$0x3FB2] =	sst s8  }
0x11: {  	[smem:$0x3FB3] =	sst s9;
	s0 =	simm.s32 @!p0 $0x0  }
0x12: {  	s1 =	sld [smem:$0x3F99];
	s0 =	simm.s32 @p0 $0x1  }
0x13: {  	[smem:$0x3FB4] =	sst s0;
	s0 =	simm.s32 @!p1 $0x0  }
0x14: {  	s2 =	sld [smem:$0x3F98];
	s0 =	simm.s32 @p1 $0x1  }
0x15: {  	[smem:$0x3FB5] =	sst s0;
	s0 =	simm.s32 @!p2 $0x0  }
0x16: {  	s3 =	sld [smem:$0x3FDB];
	s0 =	simm.s32 @p2 $0x1  }
0x17: {  	s4 =	simm.s32 $0x1BF5;
	[smem:$0x3FB7] =	sst s0  }
0x18: {  	s0 =	sld [smem:$0x3F9A];
	_ =	swait.ge [sflag:s4], $0x0  }
0x19: {  	s7 =	sld [smem:$0x3F9B]  }
0x1a: {  	s8 =	sadd.s32 $0xFFFFE003, lr  }
0x1b: {  	s9 =	sadd.s32 $0xFFFFFEF7, lr;
	s5 =	simm.s32 $0xFFFFFFFF;
	p2 =	slt.u32 s8, $0xFFFFF086  }
0x1c: {  	p1 =	slt.u32 s9, $0xF7A;
	s5 =	simm.s32 @!p2 $0x0  }
0x1d: {  	s5 =	simm.s32 @p1 $0x1;
	p0 =	seq.s32 s7, s2  }
0x1e: {  	s7 =	smul.u32 @!p0 $0xF7A, s2;
	p2 =	seq.s32 @!p0 s5, $0x0  }
0x1f: {  	s9 =	smul.u32 $0xF7A, s1;
	s8 =	simm.s32 @!p0 $0x1BF5;
	p2 =	por !p2, p0  }
0x20: {  	[sflag:s8] =	ssyncset.s32 @!p0 $0xFFFFF086;
	s6 =	sadd.s32 @!p0 s3, s7;
	s7 =	simm.s32 @!p0 $0x108  }
0x21: {  	s3 =	sadd.s32 s3, s9;
	s6 =	sadd.s32 @!p0 $0x88, s6;
	s7 =	simm.s32 @p2 $0x1082  }
0x22: {  	[simem:s7], [sflag:s8] =	dma.local @!p0 [hbm:s6], $0xF7A  }
0x23: {  	s9 =	sor.u32 $0xD0000000, s2;
	s6 =	simm.s32 $0x108;
	_ =	swait.ge @!p0 [sflag:s8], $0x0  }
0x24: {  	s3 =	sadd.s32 $0x88, s3;
	s6 =	simm.s32 @!p1 $0x1082;
	[sflag:s4] =	ssyncset.s32 $0xFFFFF086  }
0x25: {  	[simem:s6], [sflag:s4] =	dma.local [hbm:s3], $0xF7A  }
0x26: {  	[smem:$0x3F9B] =	sst s1;
	(tag) =	ssettag s2;
	_ =	strace s9  }
0x27: {  	s1 =	sld [smem:$0x3FAB]  }
0x28: {  	s2 =	sld [smem:$0x3FAC]  }
0x29: {  	s4 =	sld [smem:$0x3FAE]  }
0x2a: {  	p0 =	seq.s32 s5, $0x0;
	s5 =	sld [smem:$0x3FAF]  }
0x2b: {  	s6 =	sld [smem:$0x3FB0]  }
0x2c: {  	s7 =	sld [smem:$0x3FB1]  }
0x2d: {  	s3 =	simm.s32 $0x108;
	s8 =	sld [smem:$0x3FB2]  }
0x2e: {  	s3 =	simm.s32 @!p0 $0x1082;
	s9 =	sld [smem:$0x3FB3]  }
0x2f: {  	lr =	sadd.s32 s0, s3;
	s0 =	sld [smem:$0x3FAA]  }
0x30: {  	s3 =	sld [smem:$0x3FAD]  }
0x31: {  	[smem:$0x3FB6] =	sst s10  }
0x32: {  	s10 =	sld [smem:$0x3FB4];
	_ =	sdelay $0x3  }
0x33: {  	p0 =	seq.s32 s10, $0x1;
	s10 =	sld [smem:$0x3FB6];
	_ =	sdelay $0x3  }
0x34: {  	[smem:$0x3FB6] =	sst s10  }
0x35: {  	s10 =	sld [smem:$0x3FB5];
	_ =	sdelay $0x3  }
0x36: {  	p1 =	seq.s32 s10, $0x1;
	s10 =	sld [smem:$0x3FB6];
	_ =	sdelay $0x3  }
0x37: {  	[smem:$0x3FB6] =	sst s10  }
0x38: {  	s10 =	sld [smem:$0x3FB7]  }
0x39: {  	_ = 	snop;
	(pc) =	sbr.ind lr, $3  }
0x3a: {  	_ = 	snop  }
0x3b: {  	_ = 	snop  }
0x3c: {  	p2 =	seq.s32 s10, $0x1;
	s10 =	sld [smem:$0x3FB6]  }
0x3d: {  	_ =	shalt  }
0x3e: {  	_ =	shalt  }
0x3f: {  	_ =	shalt  }
0x40: {  	_ =	shalt  }
0x41: {  	_ =	shalt  }
0x42: {  	_ =	shalt  }
0x43: {  	_ =	shalt  }
0x44: {  	_ =	shalt  }
0x45: {  	_ =	shalt  }
0x46: {  	_ =	shalt  }
0x47: {  	_ =	shalt  }
0x48: {  	_ =	shalt  }
0x49: {  	_ =	shalt  }
0x4a: {  	_ =	shalt  }
0x4b: {  	_ =	shalt  }
0x4c: {  	_ =	shalt  }
0x4d: {  	_ =	shalt  }
0x4e: {  	_ =	shalt  }
0x4f: {  	_ =	shalt  }
0x50: {  	_ =	shalt  }
0x51: {  	_ =	shalt  }
0x52: {  	_ =	shalt  }
0x53: {  	_ =	shalt  }
0x54: {  	_ =	shalt  }
0x55: {  	_ =	shalt  }
0x56: {  	_ =	shalt  }
0x57: {  	_ =	shalt  }
0x58: {  	_ =	shalt  }
0x59: {  	_ =	shalt  }
0x5a: {  	_ =	shalt  }
0x5b: {  	_ =	shalt  }
0x5c: {  	_ =	shalt  }
0x5d: {  	_ =	shalt  }
0x5e: {  	_ =	shalt  }
0x5f: {  	_ =	shalt  }
0x60: {  	_ =	shalt  }
0x61: {  	_ =	shalt  }
0x62: {  	_ =	shalt  }
0x63: {  	_ =	shalt  }
0x64: {  	_ =	shalt  }
0x65: {  	_ =	shalt  }
0x66: {  	_ =	shalt  }
0x67: {  	_ =	shalt  }
0x68: {  	_ =	shalt  }
0x69: {  	_ =	shalt  }
0x6a: {  	_ =	shalt  }
0x6b: {  	_ =	shalt  }
0x6c: {  	_ =	shalt  }
0x6d: {  	_ =	shalt  }
0x6e: {  	_ =	shalt  }
0x6f: {  	_ =	shalt  }
0x70: {  	_ =	shalt  }
0x71: {  	_ =	shalt  }
0x72: {  	_ =	shalt  }
0x73: {  	_ =	shalt  }
0x74: {  	_ =	shalt  }
0x75: {  	_ =	shalt  }
0x76: {  	_ =	shalt  }
0x77: {  	_ =	shalt  }
0x78: {  	_ =	shalt  }
0x79: {  	_ =	shalt  }
0x7a: {  	_ =	shalt  }
0x7b: {  	_ =	shalt  }
0x7c: {  	_ =	shalt  }
0x7d: {  	_ =	shalt  }
0x7e: {  	_ =	shalt  }
0x7f: {  	_ =	shalt  }
0x80: {  	_ =	shalt  }
0x81: {  	_ =	shalt  }
0x82: {  	_ =	shalt  }
0x83: {  	_ =	shalt  }
0x84: {  	_ =	shalt  }
0x85: {  	_ =	shalt  }
0x86: {  	_ =	shalt  }
0x87: {  	_ =	shalt  }
.Lfunc_end0:
.L_simem_size_0:
called_computation.1_lowered:
.L_overlay_start_0:
0x88: {  	s2 =	sld [smem:$0x3FD9]  }
0x89: {  	s3 =	sld [smem:$0x3FFE];
	_ =	sdelay $0x1  }
0x8a: {  	s1 =	srdreg.scid  }
0x8b: {  	s0 =	sand.u32 $0x1, s1  }
0x8c: {  	s17 =	sshll.u32 s0, $0xA;
	s2 =	sadd.s32 s3, s2  }
0x8d: {  	s2 =	sadd.s32 s2, s17  }
0x8e: {  	[smem:$0x3FC2] =	sst s2  }
0x8f: {  	_ = 	snop  }
0x90: {  	s2 =	sld [smem:$0x3FD0];
	(tm) =	ssettm $0x1  }
0x91: {  	s18 =	sld [smem:$0x3FFB];
	_ =	sdelay $0x3  }
0x92: {  	_ =	strace s18  }
0x93: {  	s3 =	sld [smem:$0x3FFC];
	_ =	sdelay $0x3  }
0x94: {  	_ =	strace s3  }
0x95: {  	s3 =	sld [smem:$0x3FFD];
	_ =	sdelay $0x3  }
0x96: {  	_ =	strace s3  }
0x97: {  	_ =	strace $0x8FFFFFFF  }
0x98: {  	s19 =	sld [smem:$0x3FDB];
	_ =	sdelay $0x1  }
0x99: {  	s4 =	simm.s32 $_scs_section_size  }
0x9a: {  	s5 =	simm.s32 $_size__tile_overlayer_lowered;
	s6 =	simm.s32 $_tile_overlayer_lowered  }
0x9b: {  	s22 =	simm.s32 $0x1BFF;
	s21 =	sshll.u32 s6, $0x1;
	s3 =	sadd.s32 s4, s19  }
0x9c: {  	s7 =	simm.s32 $0x0;
	s20 =	sshll.u32 s5, $0x1;
	s5 =	sadd.s32 s21, s3  }
0x9d: {  	[timem:s7], [sflag:s22] =	dma.local [hbm:s5], s20  }
0x9e: {  	_ =	swait.ge [sflag:s22], s20  }
0x9f: {  	s4 =	ssub.s32 $0x0, s20;
	[sflag:s22] =	ssyncset.done $0x0  }
0xa0: {  	[sflag:s22] =	ssyncadd.s32 s4;
	_ =	sdelay $0x1  }
0xa1: {  	s23 =	simm.s32 $0x1B8B  }
0xa2: {  	_ =	swait.ge [sflag:s23], $0x1  }
0xa3: {  	[sflag:s23] =	ssyncset.done $0x0  }
0xa4: {  	s25 =	simm.s32 $0x1B8E;
	s24 =	sld [smem:$0x3FFE];
	[sflag:s23] =	ssyncadd.s32 $0xFFFFFFFF  }
0xa5: {  	s26 =	simm.s32 $execute0_lowered;
	[smem:$0x3FD2] =	sst s25  }
0xa6: {  	s5 =	sshll.u32 s26, $0x1;
	_ =	strace $0x80000049;
	[dreg:$0x1] =	wrdreg $0xFFFFFFFF  }
0xa7: {  	s28 =	simm.s32 $_size_execute0_lowered;
	s3 =	sadd.s32 s3, s5;
	[dreg:$0x0] =	wrdreg $0x0  }
0xa8: {  	s5 =	sshll.u32 s28, $0x1;
	[dreg:$0x2] =	wrdreg s3  }
0xa9: {  	[dreg:$0x3] =	wrdreg s5  }
0xaa: {  	[dreg:$0x4] =	wrdreg $0xC0  }
0xab: {  	_ =	task [dreg:s7], $0x5FFFF  }
0xac: {  	[dreg:$0x1] =	wrdreg $0xFFFFFFFF  }
0xad: {  	[dreg:$0x0] =	wrdreg $0x60  }
0xae: {  	[dreg:$0x2] =	wrdreg s2  }
0xaf: {  	[dreg:$0x3] =	wrdreg s24  }
0xb0: {  	[dreg:$0x4] =	wrdreg $0x9  }
0xb1: {  	_ =	task.clear_ibuf [dreg:s7], $0x5FFFF;
	_ =	strace $0x90000049  }
0xb2: {  	s29 =	simm.s32 $0x9;
	_ =	strace $0x8000004B  }
0xb3: {  	_ =	swait.ge [sflag:s29], $0x1  }
0xb4: {  	[sflag:s29] =	ssyncadd.s32 $0xFFFFFFFF  }
0xb5: {  	_ =	strace $0x9000004B  }
0xb6: {  	_ =	sfence  }
0xb7: {  	s30 =	sld [smem:$0x0];
	_ =	sdelay $0x2  }
0xb8: {  	s31 =	sshll.u32 s1, $0xD;
	s1 =	sshrl.u32 s1, $0x2  }
0xb9: {  	s3 =	sand.u32 $0x4000, s31;
	s1 =	sadd.s32 s1, s30  }
0xba: {  	s0 =	sor.u32 s3, s0;
	s1 =	sshll.u32 s1, $0x11  }
0xbb: {  	s0 =	sor.u32 s1, s0  }
0xbc: {  	s0 =	sadd.s32 $0x8F2B, s0  }
0xbd: {  	[sflag:s0] =	ssyncadd.remote.s32 $0x1  }
0xbe: {  	_ =	sfence.sel $0xFFFF  }
0xbf: {  	[dreg:$0x0] =	wrdreg $0xFFFFFFFF;
	(pc) =	sbr.abs _section_cstart, $3  }
0xc0: {  	[dreg:$0x1] =	wrdreg $0xFFFFFFFF  }
0xc1: {  	_ =	task.clear_ibuf [dreg:s7], $0x2FFFF;
	_ =	strace $0x9FFFFFFF  }
0xc2: {  	(tm) =	ssettm $0x7FFFFFFF  }
0xc3: {  	_ =	shalt  }
tec
execute0_lowered:
.L_overlay_start_1:
0x0: {  	(tag) =	ssettag $0x1  }
0x1: {  	s3 =	rddreg [dreg:$0x0];
	s5 =	srdreg.scid  }
0x2: {  	s4 =	rddreg [dreg:$0x1];
	s5 =	sand.u32 $0x1, s5  }
0x3: {  	s6 =	sshll.u32 s5, $0x8;
	s8 =	sshll.u32 s5, $0x4;
	s5 =	ssub.s32 $0x2, s5  }
0x4: {  	s0 =	rddreg [dreg:$0x2];
	s2 =	simm.s32 $0x0;
	s10 =	sshrl.u32 s5, $0x1  }
0x5: {  	s1 =	stileid.u32;
	p0 =	por $0x0, $0x0;
	s5 =	ssub.s32 s5, s10  }
0x6: {  	[smem:$0x7FF] =	sst s2;
	s7 =	sshll.u32 s1, $0x4;
	s12 =	smax.u32 s5, $0x1  }
0x7: {  	s31 =	sshll.u32 s1, $0x5;
	_ =	strace $0x8000004A;
	p1 =	sne.s32 s12, $0x1  }
.Ltmp0:
0x8: {  	s7 =	sor.u32 s7, s6;
	s8 =	sor.u32 s8, s31;
	(pc) =	sbr.rel @!p1 .LBB2_3-.Ltmp0, $4  }
0x9: {  	s6 =	sadd.s32 $0x1A00, s4;
	s9 =	sadd.s32 s7, s4;
	s4 =	sadd.s32 s8, s4  }
0xa: {  	s11 =	sadd.s32 s3, s7;
	s3 =	simm.s32 $0x2;
	s10 =	simm.s32 $0x100  }
0xb: {  	s7 =	simm.s32 $0x1;
	s8 =	sadd.s32 $0x1800, s9;
	s4 =	sadd.s32 $0x1E00, s4  }
0xc: {  	s9 =	simm.s32 $0x80;
	s5 =	simm.s32 $0x180;
	s12 =	sadd.s32 $0xFFFFFFFF, s12  }
0xd: {  	[tilespmem:s2], [sflag:$0x2] =	stream.linear.gather [hbm4b:s11+s2], $0x80, $0x38;
	[tilespmem:$0x200] =	vst v63  }
0xe: {  	_ =	swait.ge [sflag:s3], $0x80  }
0xf: {  	[sflag:s3] =	ssyncset.done $0x0  }
0x10: {  	[sflag:s3] =	ssyncadd.s32 $0xFFFFFF80  }
0x11: {  	[tilespmem:s9], [sflag:$0x2] =	stream.linear.gather [hbm4b:s8+s2], $0x80, $0x38;
	[tilespmem:$0x200] =	vst v63  }
0x12: {  	_ =	swait.ge [sflag:s3], $0x80  }
0x13: {  	[sflag:s3] =	ssyncset.done $0x0  }
0x14: {  	[sflag:s3] =	ssyncadd.s32 $0xFFFFFF80  }
0x15: {  	[tilespmem:s10], [sflag:$0x1] =	stream.indirect.gather [hbm4b:s6+s9], $0x1, s2, s9, $0xb8;
	[tilespmem:$0x200] =	vst v63  }
0x16: {  	_ =	swait.ge [sflag:s7], $0x80  }
0x17: {  	[sflag:s7] =	ssyncset.done $0x0  }
0x18: {  	[sflag:s7] =	ssyncadd.s32 $0xFFFFFF80  }
0x19: {  	v0 =	vld [tilespmem:$0xC0]  }
0x1a: {  	v1 =	vld [tilespmem:$0xF0]  }
0x1b: {  	v2 =	vld [tilespmem:$0x170]  }
0x1c: {  	v3 =	vld [tilespmem:$0xD0]  }
0x1d: {  	v4 =	vld [tilespmem:$0x150]  }
0x1e: {  	v5 =	vld [tilespmem:$0xB0]  }
0x1f: {  	v6 =	vld [tilespmem:$0xE0]  }
0x20: {  	v7 =	vld [tilespmem:$0x140]  }
0x21: {  	v8 =	vld [tilespmem:$0x90]  }
0x22: {  	v9 =	vld [tilespmem:$0x120]  }
0x23: {  	v10 =	vld [tilespmem:$0x130]  }
0x24: {  	v11 =	vld [tilespmem:$0xA0]  }
0x25: {  	v62 =	vld [tilespmem:$0x110]  }
0x26: {  	v63 =	vld [tilespmem:$0x80];
	v1 =	vmul.f32 v1, v2  }
0x27: {  	v2 =	vld [tilespmem:$0x160];
	v3 =	vmul.f32 v3, v4  }
0x28: {  	v0 =	vmul.f32 v0, v7;
	[tilespmem:$0x1F0] =	vst v1;
	v1 =	vld [tilespmem:$0x100]  }
0x29: {  	p1 =	sne.s32 s12, $0x1;
	[tilespmem:$0x1D0] =	vst v3;
	v3 =	vmul.f32 v5, v10  }
.Ltmp1:
0x2a: {  	[tilespmem:$0x1C0] =	vst v0;
	v0 =	vmul.f32 v11, v9;
	(pc) =	sbr.rel @!p1 .LBB2_3-.Ltmp1, $4  }
0x2b: {  	[tilespmem:$0x1B0] =	vst v3;
	v3 =	vmul.f32 v8, v62  }
0x2c: {  	[tilespmem:$0x1A0] =	vst v0;
	v2 =	vmul.f32 v6, v2  }
0x2d: {  	[tilespmem:$0x190] =	vst v3;
	v0 =	vmul.f32 v63, v1  }
0x2e: {  	s12 =	sadd.s32 $0xFFFFFFFF, s12;
	p0 =	por $0x1, $0x1;
	[tilespmem:$0x1E0] =	vst v2  }
.LBB2_2:
0x2f: {  	p1 =	sne.s32 s12, $0x1;
	s12 =	sadd.s32 $0xFFFFFFFF, s12;
	[tilespmem:$0x180] =	vst v0  }
0x30: {  	[hbm4b:s4+s2] =	stream.linear.scatter [tilespmem:s5], [sflag:$0x2], $0x80, $0x38;
	[tilespmem:$0x200] =	vst v63  }
0x31: {  	_ =	swait.ge [sflag:s3], $0x80  }
0x32: {  	[sflag:s3] =	ssyncset.done $0x0  }
0x33: {  	[sflag:s3] =	ssyncadd.s32 $0xFFFFFF80  }
0x34: {  	[tilespmem:s2], [sflag:$0x2] =	stream.linear.gather [hbm4b:s11+s2], $0x80, $0x38;
	[tilespmem:$0x200] =	vst v63  }
0x35: {  	_ =	swait.ge [sflag:s3], $0x80  }
0x36: {  	[sflag:s3] =	ssyncset.done $0x0  }
0x37: {  	[sflag:s3] =	ssyncadd.s32 $0xFFFFFF80  }
0x38: {  	[tilespmem:s9], [sflag:$0x2] =	stream.linear.gather [hbm4b:s8+s2], $0x80, $0x38;
	[tilespmem:$0x200] =	vst v63  }
0x39: {  	_ =	swait.ge [sflag:s3], $0x80  }
0x3a: {  	[sflag:s3] =	ssyncset.done $0x0  }
0x3b: {  	[sflag:s3] =	ssyncadd.s32 $0xFFFFFF80  }
0x3c: {  	[tilespmem:s10], [sflag:$0x1] =	stream.indirect.gather [hbm4b:s6+s9], $0x1, s2, s9, $0xb8;
	[tilespmem:$0x200] =	vst v63  }
0x3d: {  	_ =	swait.ge [sflag:s7], $0x80  }
0x3e: {  	[sflag:s7] =	ssyncset.done $0x0  }
0x3f: {  	[sflag:s7] =	ssyncadd.s32 $0xFFFFFF80  }
0x40: {  	v0 =	vld [tilespmem:$0xC0]  }
0x41: {  	v1 =	vld [tilespmem:$0xF0]  }
0x42: {  	v2 =	vld [tilespmem:$0x170]  }
0x43: {  	v3 =	vld [tilespmem:$0xD0]  }
0x44: {  	v4 =	vld [tilespmem:$0x150]  }
0x45: {  	v5 =	vld [tilespmem:$0xB0]  }
0x46: {  	v6 =	vld [tilespmem:$0xE0]  }
0x47: {  	v7 =	vld [tilespmem:$0x140];
	v1 =	vmul.f32 v1, v2  }
0x48: {  	v2 =	vld [tilespmem:$0x90]  }
0x49: {  	v8 =	vld [tilespmem:$0x120];
	v3 =	vmul.f32 v3, v4;
	[tilespmem:$0x1F0] =	vst v1  }
0x4a: {  	v1 =	vld [tilespmem:$0x100]  }
0x4b: {  	v4 =	vld [tilespmem:$0x130];
	[tilespmem:$0x1D0] =	vst v3  }
0x4c: {  	v3 =	vld [tilespmem:$0xA0];
	v0 =	vmul.f32 v0, v7  }
0x4d: {  	v7 =	vld [tilespmem:$0x160]  }
0x4e: {  	v9 =	vld [tilespmem:$0x110];
	[tilespmem:$0x1C0] =	vst v0  }
0x4f: {  	v0 =	vld [tilespmem:$0x80]  }
0x50: {  	v4 =	vmul.f32 v5, v4  }
.Ltmp2:
0x51: {  	v3 =	vmul.f32 v3, v8;
	(pc) =	sbr.rel @p1 .LBB2_2-.Ltmp2, $4  }
0x52: {  	[tilespmem:$0x1B0] =	vst v4;
	v4 =	vmul.f32 v6, v7  }
0x53: {  	v2 =	vmul.f32 v2, v9;
	[tilespmem:$0x1A0] =	vst v3  }
0x54: {  	v0 =	vmul.f32 v0, v1;
	[tilespmem:$0x1E0] =	vst v4  }
0x55: {  	[tilespmem:$0x190] =	vst v2  }
.LBB2_3:
0x56: {  	[tilespmem:$0x180] =	vst @p0 v0  }
0x57: {  	[hbm4b:s4+s2] =	stream.linear.scatter @p0 [tilespmem:s5], [sflag:$0x2], $0x80, $0x38;
	[tilespmem:$0x200] =	vst v63  }
0x58: {  	_ =	swait.ge @p0 [sflag:s3], $0x80  }
0x59: {  	[sflag:s3] =	ssyncset.done @p0 $0x0  }
0x5a: {  	[sflag:s3] =	ssyncadd.s32 @p0 $0xFFFFFF80  }
0x5b: {  	[tilespmem:s2], [sflag:$0x2] =	stream.linear.gather [hbm4b:s11+s2], $0x80, $0x38;
	[tilespmem:$0x200] =	vst v63  }
0x5c: {  	_ =	swait.ge [sflag:s3], $0x80  }
0x5d: {  	[sflag:s3] =	ssyncset.done $0x0  }
0x5e: {  	[sflag:s3] =	ssyncadd.s32 $0xFFFFFF80  }
0x5f: {  	[tilespmem:s9], [sflag:$0x2] =	stream.linear.gather [hbm4b:s8+s2], $0x80, $0x38;
	[tilespmem:$0x200] =	vst v63  }
0x60: {  	_ =	swait.ge [sflag:s3], $0x80  }
0x61: {  	[sflag:s3] =	ssyncset.done $0x0  }
0x62: {  	[sflag:s3] =	ssyncadd.s32 $0xFFFFFF80  }
0x63: {  	[tilespmem:s10], [sflag:$0x1] =	stream.indirect.gather [hbm4b:s6+s9], $0x1, s2, s9, $0xb8;
	[tilespmem:$0x200] =	vst v63  }
0x64: {  	_ =	swait.ge [sflag:s7], $0x80  }
0x65: {  	[sflag:s7] =	ssyncset.done $0x0  }
0x66: {  	[sflag:s7] =	ssyncadd.s32 $0xFFFFFF80  }
0x67: {  	v56 =	vld [tilespmem:$0xC0]  }
0x68: {  	v1 =	vld [tilespmem:$0xF0]  }
0x69: {  	v2 =	vld [tilespmem:$0x170]  }
0x6a: {  	v3 =	vld [tilespmem:$0xD0]  }
0x6b: {  	v4 =	vld [tilespmem:$0x150]  }
0x6c: {  	v5 =	vld [tilespmem:$0xB0]  }
0x6d: {  	v6 =	vld [tilespmem:$0xE0]  }
0x6e: {  	v7 =	vld [tilespmem:$0x140]  }
0x6f: {  	v8 =	vld [tilespmem:$0x90]  }
0x70: {  	v9 =	vld [tilespmem:$0x120]  }
0x71: {  	v10 =	vld [tilespmem:$0x100]  }
0x72: {  	v11 =	vld [tilespmem:$0x130]  }
0x73: {  	v12 =	vld [tilespmem:$0xA0]  }
0x74: {  	v57 =	vld [tilespmem:$0x160];
	v1 =	vmul.f32 v1, v2  }
0x75: {  	v58 =	vld [tilespmem:$0x110];
	v3 =	vmul.f32 v3, v4  }
0x76: {  	v59 =	vld [tilespmem:$0x80];
	v0 =	vmul.f32 v56, v7;
	[tilespmem:$0x1F0] =	vst v1  }
0x77: {  	v60 =	vmul.f32 v5, v11;
	[tilespmem:$0x1D0] =	vst v3  }
0x78: {  	v61 =	vmul.f32 v12, v9;
	[tilespmem:$0x1C0] =	vst v0  }
0x79: {  	v2 =	vmul.f32 v6, v57;
	[tilespmem:$0x1B0] =	vst v60  }
0x7a: {  	v62 =	vmul.f32 v8, v58;
	[tilespmem:$0x1A0] =	vst v61  }
0x7b: {  	v63 =	vmul.f32 v59, v10;
	[tilespmem:$0x1E0] =	vst v2  }
0x7c: {  	[tilespmem:$0x190] =	vst v62  }
0x7d: {  	[tilespmem:$0x180] =	vst v63  }
0x7e: {  	[hbm4b:s4+s2] =	stream.linear.scatter [tilespmem:s5], [sflag:$0x2], $0x80, $0x38;
	[tilespmem:$0x200] =	vst v63  }
0x7f: {  	_ =	swait.ge [sflag:s3], $0x80  }
0x80: {  	[sflag:s3] =	ssyncset.done $0x0  }
0x81: {  	[sflag:s3] =	ssyncadd.s32 $0xFFFFFF80  }
0x82: {  	_ =	sfence.sel $0x180000  }
0x83: {  	[bflag:$0x0] =	sbarrier.arrive $0xFFFF  }
0x84: {  	p0 =	sne.s32 s1, $0x0;
	_ =	strace $0x9000004A  }
0x85: {  	s0 =	sadd.s32 @!p0 $0x100000, s0;
	[bflag:$0x2] =	sbarrier.arrive $0xFFFF  }
0x86: {  	[sflag:s0] =	ssyncadd.tile.s32 @!p0 $0x1;
	_ =	shalt  }
.Lfunc_end2:
_tile_overlayer_lowered:
.L_overlay_start_2:
0x87: {  	(tag) =	ssettag $0x2  }
0x88: {  	s0 =	rddreg [dreg:$0x0];
	s2 =	stileid.u32  }
0x89: {  	s1 =	rddreg [dreg:$0x1];
	p0 =	sne.s32 s2, $0x0  }
0x8a: {  	s3 =	rddreg [dreg:$0x2];
	[bflag:$0x3] =	sbarrier.arrive $0xFFFF;
	s2 =	simm.s32 @!p0 $0x1C02  }
0x8b: {  	[timem:s3], [sflag:s2] =	dma.local @!p0 [hbm:s0], s1  }
0x8c: {  	s0 =	simm.s32 @!p0 $0x2  }
0x8d: {  	_ =	swait.ge @!p0 [sflag:s0], s1  }
0x8e: {  	s1 =	ssub.s32 @!p0 $0x0, s1;
	[sflag:s0] =	ssyncset.done @!p0 $0x0  }
0x8f: {  	[sflag:s0] =	ssyncadd.s32 @!p0 s1  }
0x90: {  	[bflag:$0x3] =	sbarrier.arrive $0xFFFF  }
0x91: {  	_ =	shalt  }

// kernel: kernel.8.cloned.1.call-start
scs
__scs_entry_jumppad:
0x0: {  	(pc) =	sbr.rel $0x88, $3  }
0x1: {  	(tag) =	ssettag $0x0;
	lr =	simm.s32 $0x1  }
0x2: {  	[smem:$0x3F9B] =	sst lr;
	_ =	strace $0xD0000000  }
0x3: {  	_ = 	snop  }
0x4: {  	_ = 	snop  }
0x5: {  	_ = 	snop  }
0x6: {  	_ = 	snop  }
0x7: {  	_ = 	snop  }
__scs_overlays_trampoline_lowered:
0x8: {  	[smem:$0x3FAA] =	sst s0  }
0x9: {  	[smem:$0x3FAB] =	sst s1  }
0xa: {  	[smem:$0x3FAC] =	sst s2  }
0xb: {  	[smem:$0x3FAD] =	sst s3  }
0xc: {  	[smem:$0x3FAE] =	sst s4  }
0xd: {  	[smem:$0x3FAF] =	sst s5  }
0xe: {  	[smem:$0x3FB0] =	sst s6  }
0xf: {  	[smem:$0x3FB1] =	sst s7  }
0x10: {  	[smem:$0x3FB2] =	sst s8  }
0x11: {  	[smem:$0x3FB3] =	sst s9;
	s0 =	simm.s32 @!p0 $0x0  }
0x12: {  	s1 =	sld [smem:$0x3F99];
	s0 =	simm.s32 @p0 $0x1  }
0x13: {  	[smem:$0x3FB4] =	sst s0;
	s0 =	simm.s32 @!p1 $0x0  }
0x14: {  	s2 =	sld [smem:$0x3F98];
	s0 =	simm.s32 @p1 $0x1  }
0x15: {  	[smem:$0x3FB5] =	sst s0;
	s0 =	simm.s32 @!p2 $0x0  }
0x16: {  	s3 =	sld [smem:$0x3FDB];
	s0 =	simm.s32 @p2 $0x1  }
0x17: {  	s4 =	simm.s32 $0x1BF5;
	[smem:$0x3FB7] =	sst s0  }
0x18: {  	s0 =	sld [smem:$0x3F9A];
	_ =	swait.ge [sflag:s4], $0x0  }
0x19: {  	s7 =	sld [smem:$0x3F9B]  }
0x1a: {  	s8 =	sadd.s32 $0xFFFFE003, lr  }
0x1b: {  	s9 =	sadd.s32 $0xFFFFFEF7, lr;
	s5 =	simm.s32 $0xFFFFFFFF;
	p2 =	slt.u32 s8, $0xFFFFF086  }
0x1c: {  	p1 =	slt.u32 s9, $0xF7A;
	s5 =	simm.s32 @!p2 $0x0  }
0x1d: {  	s5 =	simm.s32 @p1 $0x1;
	p0 =	seq.s32 s7, s2  }
0x1e: {  	s7 =	smul.u32 @!p0 $0xF7A, s2;
	p2 =	seq.s32 @!p0 s5, $0x0  }
0x1f: {  	s9 =	smul.u32 $0xF7A, s1;
	s8 =	simm.s32 @!p0 $0x1BF5;
	p2 =	por !p2, p0  }
0x20: {  	[sflag:s8] =	ssyncset.s32 @!p0 $0xFFFFF086;
	s6 =	sadd.s32 @!p0 s3, s7;
	s7 =	simm.s32 @!p0 $0x108  }
0x21: {  	s3 =	sadd.s32 s3, s9;
	s6 =	sadd.s32 @!p0 $0x88, s6;
	s7 =	simm.s32 @p2 $0x1082  }
0x22: {  	[simem:s7], [sflag:s8] =	dma.local @!p0 [hbm:s6], $0xF7A  }
0x23: {  	s9 =	sor.u32 $0xD0000000, s2;
	s6 =	simm.s32 $0x108;
	_ =	swait.ge @!p0 [sflag:s8], $0x0  }
0x24: {  	s3 =	sadd.s32 $0x88, s3;
	s6 =	simm.s32 @!p1 $0x1082;
	[sflag:s4] =	ssyncset.s32 $0xFFFFF086  }
0x25: {  	[simem:s6], [sflag:s4] =	dma.local [hbm:s3], $0xF7A  }
0x26: {  	[smem:$0x3F9B] =	sst s1;
	(tag) =	ssettag s2;
	_ =	strace s9  }
0x27: {  	s1 =	sld [smem:$0x3FAB]  }
0x28: {  	s2 =	sld [smem:$0x3FAC]  }
0x29: {  	s4 =	sld [smem:$0x3FAE]  }
0x2a: {  	p0 =	seq.s32 s5, $0x0;
	s5 =	sld [smem:$0x3FAF]  }
0x2b: {  	s6 =	sld [smem:$0x3FB0]  }
0x2c: {  	s7 =	sld [smem:$0x3FB1]  }
0x2d: {  	s3 =	simm.s32 $0x108;
	s8 =	sld [smem:$0x3FB2]  }
0x2e: {  	s3 =	simm.s32 @!p0 $0x1082;
	s9 =	sld [smem:$0x3FB3]  }
0x2f: {  	lr =	sadd.s32 s0, s3;
	s0 =	sld [smem:$0x3FAA]  }
0x30: {  	s3 =	sld [smem:$0x3FAD]  }
0x31: {  	[smem:$0x3FB6] =	sst s10  }
0x32: {  	s10 =	sld [smem:$0x3FB4];
	_ =	sdelay $0x3  }
0x33: {  	p0 =	seq.s32 s10, $0x1;
	s10 =	sld [smem:$0x3FB6];
	_ =	sdelay $0x3  }
0x34: {  	[smem:$0x3FB6] =	sst s10  }
0x35: {  	s10 =	sld [smem:$0x3FB5];
	_ =	sdelay $0x3  }
0x36: {  	p1 =	seq.s32 s10, $0x1;
	s10 =	sld [smem:$0x3FB6];
	_ =	sdelay $0x3  }
0x37: {  	[smem:$0x3FB6] =	sst s10  }
0x38: {  	s10 =	sld [smem:$0x3FB7]  }
0x39: {  	_ = 	snop;
	(pc) =	sbr.ind lr, $3  }
0x3a: {  	_ = 	snop  }
0x3b: {  	_ = 	snop  }
0x3c: {  	p2 =	seq.s32 s10, $0x1;
	s10 =	sld [smem:$0x3FB6]  }
0x3d: {  	_ =	shalt  }
0x3e: {  	_ =	shalt  }
0x3f: {  	_ =	shalt  }
0x40: {  	_ =	shalt  }
0x41: {  	_ =	shalt  }
0x42: {  	_ =	shalt  }
0x43: {  	_ =	shalt  }
0x44: {  	_ =	shalt  }
0x45: {  	_ =	shalt  }
0x46: {  	_ =	shalt  }
0x47: {  	_ =	shalt  }
0x48: {  	_ =	shalt  }
0x49: {  	_ =	shalt  }
0x4a: {  	_ =	shalt  }
0x4b: {  	_ =	shalt  }
0x4c: {  	_ =	shalt  }
0x4d: {  	_ =	shalt  }
0x4e: {  	_ =	shalt  }
0x4f: {  	_ =	shalt  }
0x50: {  	_ =	shalt  }
0x51: {  	_ =	shalt  }
0x52: {  	_ =	shalt  }
0x53: {  	_ =	shalt  }
0x54: {  	_ =	shalt  }
0x55: {  	_ =	shalt  }
0x56: {  	_ =	shalt  }
0x57: {  	_ =	shalt  }
0x58: {  	_ =	shalt  }
0x59: {  	_ =	shalt  }
0x5a: {  	_ =	shalt  }
0x5b: {  	_ =	shalt  }
0x5c: {  	_ =	shalt  }
0x5d: {  	_ =	shalt  }
0x5e: {  	_ =	shalt  }
0x5f: {  	_ =	shalt  }
0x60: {  	_ =	shalt  }
0x61: {  	_ =	shalt  }
0x62: {  	_ =	shalt  }
0x63: {  	_ =	shalt  }
0x64: {  	_ =	shalt  }
0x65: {  	_ =	shalt  }
0x66: {  	_ =	shalt  }
0x67: {  	_ =	shalt  }
0x68: {  	_ =	shalt  }
0x69: {  	_ =	shalt  }
0x6a: {  	_ =	shalt  }
0x6b: {  	_ =	shalt  }
0x6c: {  	_ =	shalt  }
0x6d: {  	_ =	shalt  }
0x6e: {  	_ =	shalt  }
0x6f: {  	_ =	shalt  }
0x70: {  	_ =	shalt  }
0x71: {  	_ =	shalt  }
0x72: {  	_ =	shalt  }
0x73: {  	_ =	shalt  }
0x74: {  	_ =	shalt  }
0x75: {  	_ =	shalt  }
0x76: {  	_ =	shalt  }
0x77: {  	_ =	shalt  }
0x78: {  	_ =	shalt  }
0x79: {  	_ =	shalt  }
0x7a: {  	_ =	shalt  }
0x7b: {  	_ =	shalt  }
0x7c: {  	_ =	shalt  }
0x7d: {  	_ =	shalt  }
0x7e: {  	_ =	shalt  }
0x7f: {  	_ =	shalt  }
0x80: {  	_ =	shalt  }
0x81: {  	_ =	shalt  }
0x82: {  	_ =	shalt  }
0x83: {  	_ =	shalt  }
0x84: {  	_ =	shalt  }
0x85: {  	_ =	shalt  }
0x86: {  	_ =	shalt  }
0x87: {  	_ =	shalt  }
.Lfunc_end0:
.L_simem_size_0:
called_computation_lowered:
.L_overlay_start_0:
0x88: {  	s2 =	sld [smem:$0x3FD9]  }
0x89: {  	s3 =	sld [smem:$0x3FFE];
	_ =	sdelay $0x1  }
0x8a: {  	s1 =	srdreg.scid  }
0x8b: {  	s0 =	sand.u32 $0x1, s1  }
0x8c: {  	s17 =	sshll.u32 s0, $0xA;
	s2 =	sadd.s32 s3, s2  }
0x8d: {  	s2 =	sadd.s32 s2, s17  }
0x8e: {  	[smem:$0x3FC2] =	sst s2  }
0x8f: {  	_ = 	snop  }
0x90: {  	s2 =	sld [smem:$0x3FC9]  }
0x91: {  	s18 =	sld [smem:$0x3FD0];
	(tm) =	ssettm $0x1  }
0x92: {  	s4 =	sld [smem:$0x3FFB];
	_ =	sdelay $0x3  }
0x93: {  	_ =	strace s4  }
0x94: {  	s4 =	sld [smem:$0x3FFC];
	_ =	sdelay $0x3  }
0x95: {  	_ =	strace s4  }
0x96: {  	s4 =	sld [smem:$0x3FFD];
	_ =	sdelay $0x3  }
0x97: {  	_ =	strace s4  }
0x98: {  	_ =	strace $0x8FFFFFFF  }
0x99: {  	s19 =	sld [smem:$0x3FDB];
	_ =	sdelay $0x1  }
0x9a: {  	s5 =	simm.s32 $_scs_section_size  }
0x9b: {  	s6 =	simm.s32 $_size__tile_overlayer_lowered;
	s7 =	simm.s32 $_tile_overlayer_lowered  }
0x9c: {  	s22 =	simm.s32 $0x1BFF;
	s21 =	sshll.u32 s7, $0x1;
	s4 =	sadd.s32 s5, s19  }
0x9d: {  	s8 =	simm.s32 $0x0;
	s20 =	sshll.u32 s6, $0x1;
	s6 =	sadd.s32 s21, s4  }
0x9e: {  	[timem:s8], [sflag:s22] =	dma.local [hbm:s6], s20  }
0x9f: {  	_ =	swait.ge [sflag:s22], s20  }
0xa0: {  	s5 =	ssub.s32 $0x0, s20;
	[sflag:s22] =	ssyncset.done $0x0  }
0xa1: {  	[sflag:s22] =	ssyncadd.s32 s5;
	_ =	sdelay $0x1  }
0xa2: {  	s23 =	simm.s32 $0x1B8B  }
0xa3: {  	_ =	swait.ge [sflag:s23], $0x1  }
0xa4: {  	[sflag:s23] =	ssyncset.done $0x0  }
0xa5: {  	s25 =	simm.s32 $0x1B8E;
	s24 =	sld [smem:$0x3FFE];
	[sflag:s23] =	ssyncadd.s32 $0xFFFFFFFF  }
0xa6: {  	s26 =	simm.s32 $execute0_lowered;
	[smem:$0x3FD2] =	sst s25  }
0xa7: {  	s6 =	sshll.u32 s26, $0x1;
	_ =	strace $0x80000046;
	[dreg:$0x1] =	wrdreg $0xFFFFFFFF  }
0xa8: {  	s28 =	simm.s32 $_size_execute0_lowered;
	s4 =	sadd.s32 s4, s6;
	[dreg:$0x0] =	wrdreg $0x0  }
0xa9: {  	s6 =	sshll.u32 s28, $0x1;
	[dreg:$0x2] =	wrdreg s4  }
0xaa: {  	[dreg:$0x3] =	wrdreg s6  }
0xab: {  	[dreg:$0x4] =	wrdreg $0xC0  }
0xac: {  	_ =	task [dreg:s8], $0x5FFFF  }
0xad: {  	[dreg:$0x1] =	wrdreg $0xFFFFFFFF  }
0xae: {  	[dreg:$0x0] =	wrdreg $0x60  }
0xaf: {  	[dreg:$0x2] =	wrdreg s18  }
0xb0: {  	[dreg:$0x3] =	wrdreg s24  }
0xb1: {  	[dreg:$0x4] =	wrdreg s2  }
0xb2: {  	[dreg:$0x5] =	wrdreg $0x9  }
0xb3: {  	_ =	task.clear_ibuf [dreg:s8], $0x6FFFF;
	_ =	strace $0x90000046  }
0xb4: {  	s29 =	simm.s32 $0x9;
	_ =	strace $0x80000048  }
0xb5: {  	_ =	swait.ge [sflag:s29], $0x1  }
0xb6: {  	[sflag:s29] =	ssyncadd.s32 $0xFFFFFFFF  }
0xb7: {  	_ =	strace $0x90000048  }
0xb8: {  	_ =	sfence  }
0xb9: {  	s30 =	sld [smem:$0x0];
	_ =	sdelay $0x2  }
0xba: {  	s31 =	sshll.u32 s1, $0xD;
	s1 =	sshrl.u32 s1, $0x2  }
0xbb: {  	s3 =	sand.u32 $0x4000, s31;
	s1 =	sadd.s32 s1, s30  }
0xbc: {  	s0 =	sor.u32 s3, s0;
	s1 =	sshll.u32 s1, $0x11  }
0xbd: {  	s0 =	sor.u32 s1, s0  }
0xbe: {  	s0 =	sadd.s32 $0x8F2B, s0  }
0xbf: {  	[sflag:s0] =	ssyncadd.remote.s32 $0x1  }
0xc0: {  	_ =	sfence.sel $0xFFFF  }
0xc1: {  	[dreg:$0x0] =	wrdreg $0xFFFFFFFF;
	(pc) =	sbr.abs _section_cstart, $3  }
0xc2: {  	[dreg:$0x1] =	wrdreg $0xFFFFFFFF  }
0xc3: {  	_ =	task.clear_ibuf [dreg:s8], $0x2FFFF;
	_ =	strace $0x9FFFFFFF  }
0xc4: {  	(tm) =	ssettm $0x7FFFFFFF  }
0xc5: {  	_ =	shalt  }
tec
execute0_lowered:
.L_overlay_start_1:
0x0: {  	(tag) =	ssettag $0x1  }
0x1: {  	s4 =	rddreg [dreg:$0x0]  }
0x2: {  	s9 =	rddreg [dreg:$0x1]  }
0x3: {  	s6 =	rddreg [dreg:$0x2]  }
0x4: {  	s1 =	srdreg.scid;
	s0 =	rddreg [dreg:$0x3];
	s2 =	simm.s32 $0x0  }
0x5: {  	s18 =	simm.s32 $0x2;
	s19 =	simm.s32 $0x80;
	s20 =	simm.s32 $0x100  }
0x6: {  	s21 =	simm.s32 $0x900;
	s22 =	simm.s32 $0x1100;
	s24 =	simm.s32 $0x2100  }
0x7: {  	s25 =	simm.s32 $0x2900;
	s26 =	simm.s32 $0x3100;
	s28 =	simm.s32 $0x3900  }
0x8: {  	s29 =	simm.s32 $0x1;
	s3 =	sand.u32 $0x1, s1;
	s1 =	stileid.u32  }
0x9: {  	[smem:$0x7FF] =	sst s2;
	s5 =	sshll.u32 s3, $0x4;
	s30 =	ssub.s32 $0x2, s3  }
0xa: {  	_ =	strace $0x80000047;
	s7 =	sor.u32 s1, s5;
	s10 =	sshrl.u32 s30, $0x1  }
0xb: {  	s3 =	sadd.s32 $0x1A00, s9;
	s8 =	sshll.u32 s7, $0x4;
	s17 =	ssub.s32 s30, s10  }
0xc: {  	s31 =	sshll.u32 s7, $0xE;
	s23 =	sor.u32 $0x1400, s7;
	s7 =	sadd.s32 $0x1B00, s9  }
0xd: {  	s11 =	sadd.s32 s8, s9;
	s4 =	sadd.s32 s4, s8;
	s6 =	sadd.s32 s6, s31  }
0xe: {  	s8 =	sadd.s32 $0x1C00, s9;
	s9 =	sadd.s32 $0x1D00, s9;
	s17 =	smax.u32 s17, $0x1  }
0xf: {  	v3 =	vlaneseq.u32;
	v0 =	vmov s23;
	s23 =	simm.s32 $0x1900;
	s5 =	sadd.s32 $0x1800, s11;
	s10 =	sadd.s32 $0x800, s6  }
0x10: {  	vm0 =	vmmov $0xffff;
	v2 =	vshrl.u32 v3, $0x3;
	s11 =	sadd.s32 $0x1000, s6;
	s12 =	sadd.s32 $0x1800, s6;
	s13 =	sadd.s32 $0x2000, s6  }
0x11: {  	v1 =	vand.u32 $0x7, v3;
	v3 =	vor.u32 $0x8, v3;
	v2 =	vmul.u32 $0x8, v2;
	s14 =	sadd.s32 $0x2800, s6;
	s15 =	sadd.s32 $0x3000, s6;
	s16 =	sadd.s32 $0x3800, s6  }
.LBB2_1:
0x12: {  	[tilespmem:s2], [sflag:$0x2] =	stream.linear.gather [hbm4b:s4+s2], $0x80, $0x38;
	[tilespmem:$0x4100] =	vst v63  }
0x13: {  	_ =	swait.ge [sflag:s18], $0x80  }
0x14: {  	[sflag:s18] =	ssyncset.done $0x0  }
0x15: {  	[sflag:s18] =	ssyncadd.s32 $0xFFFFFF80  }
0x16: {  	[tilespmem:s19], [sflag:$0x2] =	stream.linear.gather [hbm4b:s5+s2], $0x80, $0x38;
	[tilespmem:$0x4100] =	vst v63  }
0x17: {  	_ =	swait.ge [sflag:s18], $0x80  }
0x18: {  	[sflag:s18] =	ssyncset.done $0x0  }
0x19: {  	[sflag:s18] =	ssyncadd.s32 $0xFFFFFF80  }
0x1a: {  	v4 =	vld [tilespmem:$0x80]  }
0x1b: {  	v5 =	vld [tilespmem:$0x0];
	_ =	sdelay $0x3  }
0x1c: {  	vm1 =	vgt.f32 v4, $0.0e+00  }
0x1d: {  	v4 =	vsel vm1, v5, v0  }
0x1e: {  	v5 =	vshll.u32 v4, $0x3  }
0x1f: {  	v4 =	vand.u32 $0x7, v4;
	v5 =	vand.u32 $0xFFFFFFC0, v5  }
0x20: {  	v4 =	vor.u32 v4, v5  }
0x21: {  	v5 =	vperm.xlane v4, v1;
	_ =	sdelay $0x1  }
0x22: {  	v5 =	vadd.s32 v2, v5  }
0x23: {  	[tilespmem:s20], [sflag:$0x2] =	stream.linear.gather [hbm4b:s6+s2], $0x4000, $0x38;
	[tilespmem:$0x4100] =	vst v63  }
0x24: {  	_ =	swait.ge [sflag:s18], $0x4000  }
0x25: {  	[sflag:s18] =	ssyncset.done $0x0  }
0x26: {  	[sflag:s18] =	ssyncadd.s32 $0xFFFFC000  }
0x27: {  	[hbm4b:s3+s2] =	stream.indirect_vreg.scatter [tilespmem:s20], [sflag:$0x1], $0x80, v5, vm0, $0xb8;
	[tilespmem:$0x4100] =	vst v63  }
0x28: {  	v4 =	vperm.xlane v4, v3  }
0x29: {  	[hbm4b:s7+s2] =	stream.indirect_vreg.scatter [tilespmem:s21], [sflag:$0x1], $0x80, v5, vm0, $0xb8;
	[tilespmem:$0x4100] =	vst v63  }
0x2a: {  	v4 =	vadd.s32 v2, v4  }
0x2b: {  	[hbm4b:s8+s2] =	stream.indirect_vreg.scatter [tilespmem:s22], [sflag:$0x1], $0x80, v5, vm0, $0xb8;
	[tilespmem:$0x4100] =	vst v63  }
0x2c: {  	_ = 	snop  }
0x2d: {  	[hbm4b:s9+s2] =	stream.indirect_vreg.scatter [tilespmem:s23], [sflag:$0x1], $0x80, v5, vm0, $0xb8;
	[tilespmem:$0x4100] =	vst v63  }
0x2e: {  	_ = 	snop  }
0x2f: {  	[hbm4b:s3+s2] =	stream.indirect_vreg.scatter [tilespmem:s24], [sflag:$0x1], $0x80, v4, vm0, $0xb8;
	[tilespmem:$0x4100] =	vst v63  }
0x30: {  	_ = 	snop  }
0x31: {  	[hbm4b:s7+s2] =	stream.indirect_vreg.scatter [tilespmem:s25], [sflag:$0x1], $0x80, v4, vm0, $0xb8;
	[tilespmem:$0x4100] =	vst v63  }
0x32: {  	_ = 	snop  }
0x33: {  	[hbm4b:s8+s2] =	stream.indirect_vreg.scatter [tilespmem:s26], [sflag:$0x1], $0x80, v4, vm0, $0xb8;
	[tilespmem:$0x4100] =	vst v63  }
0x34: {  	_ = 	snop  }
0x35: {  	[hbm4b:s9+s2] =	stream.indirect_vreg.scatter [tilespmem:s28], [sflag:$0x1], $0x80, v4, vm0, $0xb8;
	[tilespmem:$0x4100] =	vst v63  }
0x36: {  	_ =	swait.ge [sflag:s29], $0x4000  }
0x37: {  	[sflag:s29] =	ssyncset.done $0x0  }
0x38: {  	[sflag:s29] =	ssyncadd.s32 $0xFFFFC000  }
0x39: {  	v4 =	vld [tilespmem:$0x90]  }
0x3a: {  	v5 =	vld [tilespmem:$0x10];
	_ =	sdelay $0x3  }
0x3b: {  	vm1 =	vgt.f32 v4, $0.0e+00  }
0x3c: {  	v4 =	vsel vm1, v5, v0  }
0x3d: {  	v5 =	vshll.u32 v4, $0x3  }
0x3e: {  	v4 =	vand.u32 $0x7, v4;
	v5 =	vand.u32 $0xFFFFFFC0, v5  }
0x3f: {  	v4 =	vor.u32 v4, v5  }
0x40: {  	v5 =	vperm.xlane v4, v1;
	_ =	sdelay $0x1  }
0x41: {  	v5 =	vadd.s32 v2, v5  }
0x42: {  	[tilespmem:s20], [sflag:$0x2] =	stream.linear.gather [hbm4b:s10+s2], $0x4000, $0x38;
	[tilespmem:$0x4100] =	vst v63  }
0x43: {  	_ =	swait.ge [sflag:s18], $0x4000  }
0x44: {  	[sflag:s18] =	ssyncset.done $0x0  }
0x45: {  	[sflag:s18] =	ssyncadd.s32 $0xFFFFC000  }
0x46: {  	[hbm4b:s3+s2] =	stream.indirect_vreg.scatter [tilespmem:s20], [sflag:$0x1], $0x80, v5, vm0, $0xb8;
	[tilespmem:$0x4100] =	vst v63  }
0x47: {  	v4 =	vperm.xlane v4, v3  }
0x48: {  	[hbm4b:s7+s2] =	stream.indirect_vreg.scatter [tilespmem:s21], [sflag:$0x1], $0x80, v5, vm0, $0xb8;
	[tilespmem:$0x4100] =	vst v63  }
0x49: {  	v4 =	vadd.s32 v2, v4  }
0x4a: {  	[hbm4b:s8+s2] =	stream.indirect_vreg.scatter [tilespmem:s22], [sflag:$0x1], $0x80, v5, vm0, $0xb8;
	[tilespmem:$0x4100] =	vst v63  }
0x4b: {  	_ = 	snop  }
0x4c: {  	[hbm4b:s9+s2] =	stream.indirect_vreg.scatter [tilespmem:s23], [sflag:$0x1], $0x80, v5, vm0, $0xb8;
	[tilespmem:$0x4100] =	vst v63  }
0x4d: {  	_ = 	snop  }
0x4e: {  	[hbm4b:s3+s2] =	stream.indirect_vreg.scatter [tilespmem:s24], [sflag:$0x1], $0x80, v4, vm0, $0xb8;
	[tilespmem:$0x4100] =	vst v63  }
0x4f: {  	_ = 	snop  }
0x50: {  	[hbm4b:s7+s2] =	stream.indirect_vreg.scatter [tilespmem:s25], [sflag:$0x1], $0x80, v4, vm0, $0xb8;
	[tilespmem:$0x4100] =	vst v63  }
0x51: {  	_ = 	snop  }
0x52: {  	[hbm4b:s8+s2] =	stream.indirect_vreg.scatter [tilespmem:s26], [sflag:$0x1], $0x80, v4, vm0, $0xb8;
	[tilespmem:$0x4100] =	vst v63  }
0x53: {  	_ = 	snop  }
0x54: {  	[hbm4b:s9+s2] =	stream.indirect_vreg.scatter [tilespmem:s28], [sflag:$0x1], $0x80, v4, vm0, $0xb8;
	[tilespmem:$0x4100] =	vst v63  }
0x55: {  	_ =	swait.ge [sflag:s29], $0x4000  }
0x56: {  	[sflag:s29] =	ssyncset.done $0x0  }
0x57: {  	[sflag:s29] =	ssyncadd.s32 $0xFFFFC000  }
0x58: {  	v4 =	vld [tilespmem:$0xA0]  }
0x59: {  	v5 =	vld [tilespmem:$0x20];
	_ =	sdelay $0x3  }
0x5a: {  	vm1 =	vgt.f32 v4, $0.0e+00  }
0x5b: {  	v4 =	vsel vm1, v5, v0  }
0x5c: {  	v5 =	vshll.u32 v4, $0x3  }
0x5d: {  	v4 =	vand.u32 $0x7, v4;
	v5 =	vand.u32 $0xFFFFFFC0, v5  }
0x5e: {  	v4 =	vor.u32 v4, v5  }
0x5f: {  	v5 =	vperm.xlane v4, v1;
	_ =	sdelay $0x1  }
0x60: {  	v5 =	vadd.s32 v2, v5  }
0x61: {  	[tilespmem:s20], [sflag:$0x2] =	stream.linear.gather [hbm4b:s11+s2], $0x4000, $0x38;
	[tilespmem:$0x4100] =	vst v63  }
0x62: {  	_ =	swait.ge [sflag:s18], $0x4000  }
0x63: {  	[sflag:s18] =	ssyncset.done $0x0  }
0x64: {  	[sflag:s18] =	ssyncadd.s32 $0xFFFFC000  }
0x65: {  	[hbm4b:s3+s2] =	stream.indirect_vreg.scatter [tilespmem:s20], [sflag:$0x1], $0x80, v5, vm0, $0xb8;
	[tilespmem:$0x4100] =	vst v63  }
0x66: {  	v4 =	vperm.xlane v4, v3  }
0x67: {  	[hbm4b:s7+s2] =	stream.indirect_vreg.scatter [tilespmem:s21], [sflag:$0x1], $0x80, v5, vm0, $0xb8;
	[tilespmem:$0x4100] =	vst v63  }
0x68: {  	v4 =	vadd.s32 v2, v4  }
0x69: {  	[hbm4b:s8+s2] =	stream.indirect_vreg.scatter [tilespmem:s22], [sflag:$0x1], $0x80, v5, vm0, $0xb8;
	[tilespmem:$0x4100] =	vst v63  }
0x6a: {  	_ = 	snop  }
0x6b: {  	[hbm4b:s9+s2] =	stream.indirect_vreg.scatter [tilespmem:s23], [sflag:$0x1], $0x80, v5, vm0, $0xb8;
	[tilespmem:$0x4100] =	vst v63  }
0x6c: {  	_ = 	snop  }
0x6d: {  	[hbm4b:s3+s2] =	stream.indirect_vreg.scatter [tilespmem:s24], [sflag:$0x1], $0x80, v4, vm0, $0xb8;
	[tilespmem:$0x4100] =	vst v63  }
0x6e: {  	_ = 	snop  }
0x6f: {  	[hbm4b:s7+s2] =	stream.indirect_vreg.scatter [tilespmem:s25], [sflag:$0x1], $0x80, v4, vm0, $0xb8;
	[tilespmem:$0x4100] =	vst v63  }
0x70: {  	_ = 	snop  }
0x71: {  	[hbm4b:s8+s2] =	stream.indirect_vreg.scatter [tilespmem:s26], [sflag:$0x1], $0x80, v4, vm0, $0xb8;
	[tilespmem:$0x4100] =	vst v63  }
0x72: {  	_ = 	snop  }
0x73: {  	[hbm4b:s9+s2] =	stream.indirect_vreg.scatter [tilespmem:s28], [sflag:$0x1], $0x80, v4, vm0, $0xb8;
	[tilespmem:$0x4100] =	vst v63  }
0x74: {  	_ =	swait.ge [sflag:s29], $0x4000  }
0x75: {  	[sflag:s29] =	ssyncset.done $0x0  }
0x76: {  	[sflag:s29] =	ssyncadd.s32 $0xFFFFC000  }
0x77: {  	v4 =	vld [tilespmem:$0xB0]  }
0x78: {  	v5 =	vld [tilespmem:$0x30];
	_ =	sdelay $0x3  }
0x79: {  	vm1 =	vgt.f32 v4, $0.0e+00  }
0x7a: {  	v4 =	vsel vm1, v5, v0  }
0x7b: {  	v5 =	vshll.u32 v4, $0x3  }
0x7c: {  	v4 =	vand.u32 $0x7, v4;
	v5 =	vand.u32 $0xFFFFFFC0, v5  }
0x7d: {  	v4 =	vor.u32 v4, v5  }
0x7e: {  	v5 =	vperm.xlane v4, v1;
	_ =	sdelay $0x1  }
0x7f: {  	v5 =	vadd.s32 v2, v5  }
0x80: {  	[tilespmem:s20], [sflag:$0x2] =	stream.linear.gather [hbm4b:s12+s2], $0x4000, $0x38;
	[tilespmem:$0x4100] =	vst v63  }
0x81: {  	_ =	swait.ge [sflag:s18], $0x4000  }
0x82: {  	[sflag:s18] =	ssyncset.done $0x0  }
0x83: {  	[sflag:s18] =	ssyncadd.s32 $0xFFFFC000  }
0x84: {  	[hbm4b:s3+s2] =	stream.indirect_vreg.scatter [tilespmem:s20], [sflag:$0x1], $0x80, v5, vm0, $0xb8;
	[tilespmem:$0x4100] =	vst v63  }
0x85: {  	v4 =	vperm.xlane v4, v3  }
0x86: {  	[hbm4b:s7+s2] =	stream.indirect_vreg.scatter [tilespmem:s21], [sflag:$0x1], $0x80, v5, vm0, $0xb8;
	[tilespmem:$0x4100] =	vst v63  }
0x87: {  	v4 =	vadd.s32 v2, v4  }
0x88: {  	[hbm4b:s8+s2] =	stream.indirect_vreg.scatter [tilespmem:s22], [sflag:$0x1], $0x80, v5, vm0, $0xb8;
	[tilespmem:$0x4100] =	vst v63  }
0x89: {  	_ = 	snop  }
0x8a: {  	[hbm4b:s9+s2] =	stream.indirect_vreg.scatter [tilespmem:s23], [sflag:$0x1], $0x80, v5, vm0, $0xb8;
	[tilespmem:$0x4100] =	vst v63  }
0x8b: {  	_ = 	snop  }
0x8c: {  	[hbm4b:s3+s2] =	stream.indirect_vreg.scatter [tilespmem:s24], [sflag:$0x1], $0x80, v4, vm0, $0xb8;
	[tilespmem:$0x4100] =	vst v63  }
0x8d: {  	_ = 	snop  }
0x8e: {  	[hbm4b:s7+s2] =	stream.indirect_vreg.scatter [tilespmem:s25], [sflag:$0x1], $0x80, v4, vm0, $0xb8;
	[tilespmem:$0x4100] =	vst v63  }
0x8f: {  	_ = 	snop  }
0x90: {  	[hbm4b:s8+s2] =	stream.indirect_vreg.scatter [tilespmem:s26], [sflag:$0x1], $0x80, v4, vm0, $0xb8;
	[tilespmem:$0x4100] =	vst v63  }
0x91: {  	_ = 	snop  }
0x92: {  	[hbm4b:s9+s2] =	stream.indirect_vreg.scatter [tilespmem:s28], [sflag:$0x1], $0x80, v4, vm0, $0xb8;
	[tilespmem:$0x4100] =	vst v63  }
0x93: {  	_ =	swait.ge [sflag:s29], $0x4000  }
0x94: {  	[sflag:s29] =	ssyncset.done $0x0  }
0x95: {  	[sflag:s29] =	ssyncadd.s32 $0xFFFFC000  }
0x96: {  	v4 =	vld [tilespmem:$0xC0]  }
0x97: {  	v5 =	vld [tilespmem:$0x40];
	_ =	sdelay $0x3  }
0x98: {  	vm1 =	vgt.f32 v4, $0.0e+00  }
0x99: {  	v4 =	vsel vm1, v5, v0  }
0x9a: {  	v5 =	vshll.u32 v4, $0x3  }
0x9b: {  	v4 =	vand.u32 $0x7, v4;
	v5 =	vand.u32 $0xFFFFFFC0, v5  }
0x9c: {  	v4 =	vor.u32 v4, v5  }
0x9d: {  	v5 =	vperm.xlane v4, v1;
	_ =	sdelay $0x1  }
0x9e: {  	v5 =	vadd.s32 v2, v5  }
0x9f: {  	[tilespmem:s20], [sflag:$0x2] =	stream.linear.gather [hbm4b:s13+s2], $0x4000, $0x38;
	[tilespmem:$0x4100] =	vst v63  }
0xa0: {  	_ =	swait.ge [sflag:s18], $0x4000  }
0xa1: {  	[sflag:s18] =	ssyncset.done $0x0  }
0xa2: {  	[sflag:s18] =	ssyncadd.s32 $0xFFFFC000  }
0xa3: {  	[hbm4b:s3+s2] =	stream.indirect_vreg.scatter [tilespmem:s20], [sflag:$0x1], $0x80, v5, vm0, $0xb8;
	[tilespmem:$0x4100] =	vst v63  }
0xa4: {  	v4 =	vperm.xlane v4, v3  }
0xa5: {  	[hbm4b:s7+s2] =	stream.indirect_vreg.scatter [tilespmem:s21], [sflag:$0x1], $0x80, v5, vm0, $0xb8;
	[tilespmem:$0x4100] =	vst v63  }
0xa6: {  	v4 =	vadd.s32 v2, v4  }
0xa7: {  	[hbm4b:s8+s2] =	stream.indirect_vreg.scatter [tilespmem:s22], [sflag:$0x1], $0x80, v5, vm0, $0xb8;
	[tilespmem:$0x4100] =	vst v63  }
0xa8: {  	_ = 	snop  }
0xa9: {  	[hbm4b:s9+s2] =	stream.indirect_vreg.scatter [tilespmem:s23], [sflag:$0x1], $0x80, v5, vm0, $0xb8;
	[tilespmem:$0x4100] =	vst v63  }
0xaa: {  	_ = 	snop  }
0xab: {  	[hbm4b:s3+s2] =	stream.indirect_vreg.scatter [tilespmem:s24], [sflag:$0x1], $0x80, v4, vm0, $0xb8;
	[tilespmem:$0x4100] =	vst v63  }
0xac: {  	_ = 	snop  }
0xad: {  	[hbm4b:s7+s2] =	stream.indirect_vreg.scatter [tilespmem:s25], [sflag:$0x1], $0x80, v4, vm0, $0xb8;
	[tilespmem:$0x4100] =	vst v63  }
0xae: {  	_ = 	snop  }
0xaf: {  	[hbm4b:s8+s2] =	stream.indirect_vreg.scatter [tilespmem:s26], [sflag:$0x1], $0x80, v4, vm0, $0xb8;
	[tilespmem:$0x4100] =	vst v63  }
0xb0: {  	_ = 	snop  }
0xb1: {  	[hbm4b:s9+s2] =	stream.indirect_vreg.scatter [tilespmem:s28], [sflag:$0x1], $0x80, v4, vm0, $0xb8;
	[tilespmem:$0x4100] =	vst v63  }
0xb2: {  	_ =	swait.ge [sflag:s29], $0x4000  }
0xb3: {  	[sflag:s29] =	ssyncset.done $0x0  }
0xb4: {  	[sflag:s29] =	ssyncadd.s32 $0xFFFFC000  }
0xb5: {  	v4 =	vld [tilespmem:$0xD0]  }
0xb6: {  	v5 =	vld [tilespmem:$0x50];
	_ =	sdelay $0x3  }
0xb7: {  	vm1 =	vgt.f32 v4, $0.0e+00  }
0xb8: {  	v4 =	vsel vm1, v5, v0  }
0xb9: {  	v5 =	vshll.u32 v4, $0x3  }
0xba: {  	v4 =	vand.u32 $0x7, v4;
	v5 =	vand.u32 $0xFFFFFFC0, v5  }
0xbb: {  	v4 =	vor.u32 v4, v5  }
0xbc: {  	v5 =	vperm.xlane v4, v1;
	_ =	sdelay $0x1  }
0xbd: {  	v5 =	vadd.s32 v2, v5  }
0xbe: {  	[tilespmem:s20], [sflag:$0x2] =	stream.linear.gather [hbm4b:s14+s2], $0x4000, $0x38;
	[tilespmem:$0x4100] =	vst v63  }
0xbf: {  	_ =	swait.ge [sflag:s18], $0x4000  }
0xc0: {  	[sflag:s18] =	ssyncset.done $0x0  }
0xc1: {  	[sflag:s18] =	ssyncadd.s32 $0xFFFFC000  }
0xc2: {  	[hbm4b:s3+s2] =	stream.indirect_vreg.scatter [tilespmem:s20], [sflag:$0x1], $0x80, v5, vm0, $0xb8;
	[tilespmem:$0x4100] =	vst v63  }
0xc3: {  	v4 =	vperm.xlane v4, v3  }
0xc4: {  	[hbm4b:s7+s2] =	stream.indirect_vreg.scatter [tilespmem:s21], [sflag:$0x1], $0x80, v5, vm0, $0xb8;
	[tilespmem:$0x4100] =	vst v63  }
0xc5: {  	v4 =	vadd.s32 v2, v4  }
0xc6: {  	[hbm4b:s8+s2] =	stream.indirect_vreg.scatter [tilespmem:s22], [sflag:$0x1], $0x80, v5, vm0, $0xb8;
	[tilespmem:$0x4100] =	vst v63  }
0xc7: {  	_ = 	snop  }
0xc8: {  	[hbm4b:s9+s2] =	stream.indirect_vreg.scatter [tilespmem:s23], [sflag:$0x1], $0x80, v5, vm0, $0xb8;
	[tilespmem:$0x4100] =	vst v63  }
0xc9: {  	_ = 	snop  }
0xca: {  	[hbm4b:s3+s2] =	stream.indirect_vreg.scatter [tilespmem:s24], [sflag:$0x1], $0x80, v4, vm0, $0xb8;
	[tilespmem:$0x4100] =	vst v63  }
0xcb: {  	_ = 	snop  }
0xcc: {  	[hbm4b:s7+s2] =	stream.indirect_vreg.scatter [tilespmem:s25], [sflag:$0x1], $0x80, v4, vm0, $0xb8;
	[tilespmem:$0x4100] =	vst v63  }
0xcd: {  	_ = 	snop  }
0xce: {  	[hbm4b:s8+s2] =	stream.indirect_vreg.scatter [tilespmem:s26], [sflag:$0x1], $0x80, v4, vm0, $0xb8;
	[tilespmem:$0x4100] =	vst v63  }
0xcf: {  	_ = 	snop  }
0xd0: {  	[hbm4b:s9+s2] =	stream.indirect_vreg.scatter [tilespmem:s28], [sflag:$0x1], $0x80, v4, vm0, $0xb8;
	[tilespmem:$0x4100] =	vst v63  }
0xd1: {  	_ =	swait.ge [sflag:s29], $0x4000  }
0xd2: {  	[sflag:s29] =	ssyncset.done $0x0  }
0xd3: {  	[sflag:s29] =	ssyncadd.s32 $0xFFFFC000  }
0xd4: {  	v4 =	vld [tilespmem:$0xE0]  }
0xd5: {  	v5 =	vld [tilespmem:$0x60];
	_ =	sdelay $0x3  }
0xd6: {  	vm1 =	vgt.f32 v4, $0.0e+00  }
0xd7: {  	v4 =	vsel vm1, v5, v0  }
0xd8: {  	v5 =	vshll.u32 v4, $0x3  }
0xd9: {  	v4 =	vand.u32 $0x7, v4;
	v5 =	vand.u32 $0xFFFFFFC0, v5  }
0xda: {  	v4 =	vor.u32 v4, v5  }
0xdb: {  	v5 =	vperm.xlane v4, v1;
	_ =	sdelay $0x1  }
0xdc: {  	v5 =	vadd.s32 v2, v5  }
0xdd: {  	[tilespmem:s20], [sflag:$0x2] =	stream.linear.gather [hbm4b:s15+s2], $0x4000, $0x38;
	[tilespmem:$0x4100] =	vst v63  }
0xde: {  	_ =	swait.ge [sflag:s18], $0x4000  }
0xdf: {  	[sflag:s18] =	ssyncset.done $0x0  }
0xe0: {  	[sflag:s18] =	ssyncadd.s32 $0xFFFFC000  }
0xe1: {  	[hbm4b:s3+s2] =	stream.indirect_vreg.scatter [tilespmem:s20], [sflag:$0x1], $0x80, v5, vm0, $0xb8;
	[tilespmem:$0x4100] =	vst v63  }
0xe2: {  	v4 =	vperm.xlane v4, v3  }
0xe3: {  	[hbm4b:s7+s2] =	stream.indirect_vreg.scatter [tilespmem:s21], [sflag:$0x1], $0x80, v5, vm0, $0xb8;
	[tilespmem:$0x4100] =	vst v63  }
0xe4: {  	v4 =	vadd.s32 v2, v4  }
0xe5: {  	[hbm4b:s8+s2] =	stream.indirect_vreg.scatter [tilespmem:s22], [sflag:$0x1], $0x80, v5, vm0, $0xb8;
	[tilespmem:$0x4100] =	vst v63  }
0xe6: {  	_ = 	snop  }
0xe7: {  	[hbm4b:s9+s2] =	stream.indirect_vreg.scatter [tilespmem:s23], [sflag:$0x1], $0x80, v5, vm0, $0xb8;
	[tilespmem:$0x4100] =	vst v63  }
0xe8: {  	_ = 	snop  }
0xe9: {  	[hbm4b:s3+s2] =	stream.indirect_vreg.scatter [tilespmem:s24], [sflag:$0x1], $0x80, v4, vm0, $0xb8;
	[tilespmem:$0x4100] =	vst v63  }
0xea: {  	_ = 	snop  }
0xeb: {  	[hbm4b:s7+s2] =	stream.indirect_vreg.scatter [tilespmem:s25], [sflag:$0x1], $0x80, v4, vm0, $0xb8;
	[tilespmem:$0x4100] =	vst v63  }
0xec: {  	_ = 	snop  }
0xed: {  	[hbm4b:s8+s2] =	stream.indirect_vreg.scatter [tilespmem:s26], [sflag:$0x1], $0x80, v4, vm0, $0xb8;
	[tilespmem:$0x4100] =	vst v63  }
0xee: {  	_ = 	snop  }
0xef: {  	[hbm4b:s9+s2] =	stream.indirect_vreg.scatter [tilespmem:s28], [sflag:$0x1], $0x80, v4, vm0, $0xb8;
	[tilespmem:$0x4100] =	vst v63  }
0xf0: {  	_ =	swait.ge [sflag:s29], $0x4000  }
0xf1: {  	[sflag:s29] =	ssyncset.done $0x0  }
0xf2: {  	[sflag:s29] =	ssyncadd.s32 $0xFFFFC000  }
0xf3: {  	v4 =	vld [tilespmem:$0xF0]  }
0xf4: {  	v5 =	vld [tilespmem:$0x70];
	_ =	sdelay $0x3  }
0xf5: {  	vm1 =	vgt.f32 v4, $0.0e+00  }
0xf6: {  	v4 =	vsel vm1, v5, v0  }
0xf7: {  	v5 =	vshll.u32 v4, $0x3  }
0xf8: {  	v4 =	vand.u32 $0x7, v4;
	v5 =	vand.u32 $0xFFFFFFC0, v5  }
0xf9: {  	v4 =	vor.u32 v4, v5  }
0xfa: {  	v5 =	vperm.xlane v4, v1;
	_ =	sdelay $0x1  }
0xfb: {  	v5 =	vadd.s32 v2, v5  }
0xfc: {  	[tilespmem:s20], [sflag:$0x2] =	stream.linear.gather [hbm4b:s16+s2], $0x4000, $0x38;
	[tilespmem:$0x4100] =	vst v63  }
0xfd: {  	_ =	swait.ge [sflag:s18], $0x4000  }
0xfe: {  	[sflag:s18] =	ssyncset.done $0x0  }
0xff: {  	[sflag:s18] =	ssyncadd.s32 $0xFFFFC000  }
0x100: {  	[hbm4b:s3+s2] =	stream.indirect_vreg.scatter [tilespmem:s20], [sflag:$0x1], $0x80, v5, vm0, $0xb8;
	[tilespmem:$0x4100] =	vst v63  }
0x101: {  	v4 =	vperm.xlane v4, v3  }
0x102: {  	[hbm4b:s7+s2] =	stream.indirect_vreg.scatter [tilespmem:s21], [sflag:$0x1], $0x80, v5, vm0, $0xb8;
	[tilespmem:$0x4100] =	vst v63  }
0x103: {  	v4 =	vadd.s32 v2, v4  }
0x104: {  	[hbm4b:s8+s2] =	stream.indirect_vreg.scatter [tilespmem:s22], [sflag:$0x1], $0x80, v5, vm0, $0xb8;
	[tilespmem:$0x4100] =	vst v63  }
0x105: {  	_ = 	snop  }
0x106: {  	[hbm4b:s9+s2] =	stream.indirect_vreg.scatter [tilespmem:s23], [sflag:$0x1], $0x80, v5, vm0, $0xb8;
	[tilespmem:$0x4100] =	vst v63  }
0x107: {  	_ = 	snop  }
0x108: {  	[hbm4b:s3+s2] =	stream.indirect_vreg.scatter [tilespmem:s24], [sflag:$0x1], $0x80, v4, vm0, $0xb8;
	[tilespmem:$0x4100] =	vst v63  }
0x109: {  	_ = 	snop  }
0x10a: {  	[hbm4b:s7+s2] =	stream.indirect_vreg.scatter [tilespmem:s25], [sflag:$0x1], $0x80, v4, vm0, $0xb8;
	[tilespmem:$0x4100] =	vst v63  }
0x10b: {  	p0 =	sne.s32 s17, $0x1  }
0x10c: {  	[hbm4b:s8+s2] =	stream.indirect_vreg.scatter [tilespmem:s26], [sflag:$0x1], $0x80, v4, vm0, $0xb8;
	[tilespmem:$0x4100] =	vst v63  }
.Ltmp0:
0x10d: {  	_ = 	snop;
	(pc) =	sbr.rel @p0 .LBB2_1-.Ltmp0, $4  }
0x10e: {  	[hbm4b:s9+s2] =	stream.indirect_vreg.scatter [tilespmem:s28], [sflag:$0x1], $0x80, v4, vm0, $0xb8;
	[tilespmem:$0x4100] =	vst v63  }
0x10f: {  	_ =	swait.ge [sflag:s29], $0x4000  }
0x110: {  	[sflag:s29] =	ssyncset.done $0x0  }
0x111: {  	s17 =	sadd.s32 $0xFFFFFFFF, s17;
	[sflag:s29] =	ssyncadd.s32 $0xFFFFC000  }
0x112: {  	_ =	sfence.sel $0x180000  }
0x113: {  	[bflag:$0x0] =	sbarrier.arrive $0xFFFF  }
0x114: {  	p0 =	sne.s32 s1, $0x0;
	_ =	strace $0x90000047  }
0x115: {  	s0 =	sadd.s32 @!p0 $0x100000, s0;
	[bflag:$0x2] =	sbarrier.arrive $0xFFFF  }
0x116: {  	[sflag:s0] =	ssyncadd.tile.s32 @!p0 $0x1;
	_ =	shalt  }
.Lfunc_end2:
_tile_overlayer_lowered:
.L_overlay_start_2:
0x117: {  	(tag) =	ssettag $0x2  }
0x118: {  	s0 =	rddreg [dreg:$0x0];
	s2 =	stileid.u32  }
0x119: {  	s1 =	rddreg [dreg:$0x1];
	p0 =	sne.s32 s2, $0x0  }
0x11a: {  	s3 =	rddreg [dreg:$0x2];
	[bflag:$0x3] =	sbarrier.arrive $0xFFFF;
	s2 =	simm.s32 @!p0 $0x1C02  }
0x11b: {  	[timem:s3], [sflag:s2] =	dma.local @!p0 [hbm:s0], s1  }
0x11c: {  	s0 =	simm.s32 @!p0 $0x2  }
0x11d: {  	_ =	swait.ge @!p0 [sflag:s0], s1  }
0x11e: {  	s1 =	ssub.s32 @!p0 $0x0, s1;
	[sflag:s0] =	ssyncset.done @!p0 $0x0  }
0x11f: {  	[sflag:s0] =	ssyncadd.s32 @!p0 s1  }
0x120: {  	[bflag:$0x3] =	sbarrier.arrive $0xFFFF  }
0x121: {  	_ =	shalt  }

</sc_bundles>
